<compile_context>
chip_gen: v7x
topology: tpu7x:2x2x1
jax: 0.10.2.dev20260603
libtpu: 0.0.44.dev20260713+nightly
codegen_flags: <defaults>
</compile_context>

<pallas_src>
import functools

import jax
import jax.numpy as jnp
from jax import lax
from jax.experimental import pallas as pl
from jax.experimental.pallas import tpu as pltpu
from jax.experimental.pallas import tpu_sc as plsc

N = 10000
E = 160000
D = 256
DH = 128
NC, NS = 2, 16
NPAD = 10240
ROWS_PER_TILE = NPAD // NS
EPAD = 163840
B = 128
PADROW = N


def _mesh():
    return plsc.VectorSubcoreMesh(
        core_axis_name="c", subcore_axis_name="s", num_cores=NC, num_subcores=NS
    )


_A_NB = EPAD // (NC * NS) // B


def _deg_body(dst_hbm, zeros_hbm, ones_hbm, cnt_hbm, deg_sh, dst_all, ones_v, sem):
    c = lax.axis_index("c")
    s = lax.axis_index("s")
    wid = s * NC + c
    pltpu.async_copy(dst_hbm.at[pl.ds(wid * _A_NB, _A_NB)], dst_all, sem).wait()
    pltpu.async_copy(ones_hbm, ones_v, sem).wait()
    pltpu.async_copy(
        zeros_hbm, deg_sh.at[pl.ds(s * ROWS_PER_TILE, ROWS_PER_TILE)], sem
    ).wait()
    plsc.subcore_barrier()

    def step(j, carry):
        pltpu.sync_copy(ones_v, deg_sh.at[dst_all.at[j]], add=True)
        return carry

    lax.fori_loop(0, _A_NB, step, 0)
    plsc.subcore_barrier()
    pltpu.async_copy(
        deg_sh.at[pl.ds(s * ROWS_PER_TILE, ROWS_PER_TILE)],
        cnt_hbm.at[pl.ds(c * NPAD + s * ROWS_PER_TILE, ROWS_PER_TILE)],
        sem,
    ).wait()


def _deg_call(dst_pad, zeros128, ones128):
    f = pl.kernel(
        _deg_body,
        out_type=jax.ShapeDtypeStruct((NC * NPAD, DH), jnp.float32),
        mesh=_mesh(),
        scratch_types=[
            pltpu.VMEM_SHARED((NPAD, DH), jnp.float32),
            pltpu.VMEM((_A_NB, B), jnp.int32),
            pltpu.VMEM((B, DH), jnp.float32),
            pltpu.SemaphoreType.DMA,
        ],
        name="gcn_deg_sc",
    )
    return f(dst_pad, zeros128, ones128)


_RB = 2000


def _h_body(x_ref, w_ref, h_ref):
    h_ref[...] = jnp.dot(
        x_ref[...], w_ref[...], preferred_element_type=jnp.float32
    )[None]


def _h_call(x, w):
    return pl.pallas_call(
        _h_body,
        grid=(NC, N // _RB),
        in_specs=[
            pl.BlockSpec((_RB, D), lambda c, i: (i, 0)),
            pl.BlockSpec((D, DH), lambda c, i: (0, c)),
        ],
        out_specs=pl.BlockSpec((1, _RB, DH), lambda c, i: (c, i, 0)),
        out_shape=jax.ShapeDtypeStruct((NC, NPAD, DH), jnp.float32),
        name="gcn_h_tc",
    )(x, w)


def _h2_body(h_ref, cnt0_ref, cnt1_ref, h2_ref, dinv_ref):
    cnt = cnt0_ref[0, :, 0] + cnt1_ref[0, :, 0] + 1.0
    dv = lax.rsqrt(cnt)
    h2_ref[...] = h_ref[...] * dv[None, :, None]
    dinv_ref[...] = dv[:, None]


def _h2_call(h, cnt3):
    return pl.pallas_call(
        _h2_body,
        grid=(NC, N // _RB),
        in_specs=[
            pl.BlockSpec((1, _RB, DH), lambda c, i: (c, i, 0)),
            pl.BlockSpec((1, _RB, DH), lambda c, i: (0, i, 0)),
            pl.BlockSpec((1, _RB, DH), lambda c, i: (1, i, 0)),
        ],
        out_specs=[
            pl.BlockSpec((1, _RB, DH), lambda c, i: (c, i, 0)),
            pl.BlockSpec((_RB, 1), lambda c, i: (i, 0)),
        ],
        out_shape=[
            jax.ShapeDtypeStruct((NC, NPAD, DH), jnp.float32),
            jax.ShapeDtypeStruct((N, 1), jnp.float32),
        ],
        name="gcn_h2_tc",
    )(h, cnt3, cnt3)


_C_NB = EPAD // NS // B
_C_PH = 2
_C_PB = _C_NB // _C_PH


def _agg_body(
    h2_hbm, srcg_hbm, dst_hbm, agg_hbm,
    acc_sh, src_all, dst_all, rows0, rows1, semi, sem0, sem1,
):
    c = lax.axis_index("c")
    s = lax.axis_index("s")
    gbase = c * NPAD + s * ROWS_PER_TILE
    init = pltpu.async_copy(
        h2_hbm.at[pl.ds(gbase, ROWS_PER_TILE)],
        acc_sh.at[pl.ds(s * ROWS_PER_TILE, ROWS_PER_TILE)],
        semi,
    )
    init.wait()
    plsc.subcore_barrier()

    for p in range(_C_PH):
        pltpu.async_copy(
            srcg_hbm.at[pl.ds((c * NS + s) * _C_NB + p * _C_PB, _C_PB)],
            src_all, sem0,
        ).wait()
        pltpu.async_copy(
            dst_hbm.at[pl.ds(s * _C_NB + p * _C_PB, _C_PB)], dst_all, sem1
        ).wait()

        pltpu.async_copy(h2_hbm.at[src_all.at[0]], rows0, sem0)
        pltpu.async_copy(h2_hbm.at[src_all.at[1]], rows1, sem1)

        def step(g, carry):
            j0 = 2 * g
            pltpu.make_async_copy(h2_hbm.at[src_all.at[0]], rows0, sem0).wait()
            pltpu.sync_copy(rows0, acc_sh.at[dst_all.at[j0]], add=True)
            pltpu.async_copy(h2_hbm.at[src_all.at[j0 + 2]], rows0, sem0)
            pltpu.make_async_copy(h2_hbm.at[src_all.at[0]], rows1, sem1).wait()
            pltpu.sync_copy(rows1, acc_sh.at[dst_all.at[j0 + 1]], add=True)
            pltpu.async_copy(h2_hbm.at[src_all.at[j0 + 3]], rows1, sem1)
            return carry

        lax.fori_loop(0, _C_PB // 2 - 1, step, 0)
        pltpu.make_async_copy(h2_hbm.at[src_all.at[0]], rows0, sem0).wait()
        pltpu.sync_copy(rows0, acc_sh.at[dst_all.at[_C_PB - 2]], add=True)
        pltpu.make_async_copy(h2_hbm.at[src_all.at[0]], rows1, sem1).wait()
        pltpu.sync_copy(rows1, acc_sh.at[dst_all.at[_C_PB - 1]], add=True)

    plsc.subcore_barrier()
    pltpu.async_copy(
        acc_sh.at[pl.ds(s * ROWS_PER_TILE, ROWS_PER_TILE)],
        agg_hbm.at[pl.ds(gbase, ROWS_PER_TILE)],
        semi,
    ).wait()


def _agg_call(h2, srcg2d, dst2d):
    f = pl.kernel(
        _agg_body,
        out_type=jax.ShapeDtypeStruct((NC * NPAD, DH), jnp.float32),
        mesh=_mesh(),
        scratch_types=[
            pltpu.VMEM_SHARED((NPAD, DH), jnp.float32),
            pltpu.VMEM((_C_PB, B), jnp.int32),
            pltpu.VMEM((_C_PB, B), jnp.int32),
            pltpu.VMEM((B, DH), jnp.float32),
            pltpu.VMEM((B, DH), jnp.float32),
            pltpu.SemaphoreType.DMA,
            pltpu.SemaphoreType.DMA,
            pltpu.SemaphoreType.DMA,
        ],
        name="gcn_agg_sc",
    )
    return f(h2, srcg2d, dst2d)


def _out_body(aggA_ref, aggB_ref, x_ref, dinv_ref, b_ref, out_ref):
    agg = jnp.concatenate([aggA_ref[...], aggB_ref[...]], axis=1)
    scaled = agg * dinv_ref[...] + b_ref[...][None, :]
    out_ref[...] = jnp.maximum(scaled, 0.0) + x_ref[...]


def _out_call(agg, x, dinv, b):
    R = 80
    grid = (N // R,)
    return pl.pallas_call(
        _out_body,
        grid=grid,
        in_specs=[
            pl.BlockSpec((R, DH), lambda i: (i, 0)),
            pl.BlockSpec((R, DH), lambda i: (NPAD // R + i, 0)),
            pl.BlockSpec((R, D), lambda i: (i, 0)),
            pl.BlockSpec((R, 1), lambda i: (i, 0)),
            pl.BlockSpec((D,), lambda i: (0,)),
        ],
        out_specs=pl.BlockSpec((R, D), lambda i: (i, 0)),
        out_shape=jax.ShapeDtypeStruct((N, D), jnp.float32),
        name="gcn_out_tc",
    )(agg, agg, x, dinv, b)


@jax.jit
def kernel(x, edge_index, W, b):
    src = edge_index[0].astype(jnp.int32)
    dst = edge_index[1].astype(jnp.int32)
    padfill = PADROW + jnp.arange(EPAD - E, dtype=jnp.int32) % (NPAD - N)
    src_pad = jnp.concatenate([src, padfill])
    dst_pad = jnp.concatenate([dst, padfill])
    srcg2d = jnp.concatenate([src_pad, src_pad + NPAD]).reshape(NC * (EPAD // B), B)
    dst2d = dst_pad.reshape(EPAD // B, B)
    zeros128 = jnp.zeros((ROWS_PER_TILE, DH), jnp.float32)
    ones128 = jnp.ones((B, DH), jnp.float32)

    cnt = _deg_call(dst2d, zeros128, ones128)
    h = _h_call(x, W)
    h2, dinv = _h2_call(h, cnt.reshape(NC, NPAD, DH))
    agg = _agg_call(h2.reshape(NC * NPAD, DH), srcg2d, dst2d)
    return _out_call(agg, x, dinv, b)

# --- scband reference (transcript-rebuilt; emitter-appended) ---
"""Pipeline reference for scband-gnnblock-26946624815135 (READ-ONLY COPY).

The authoritative reference and input builder live on the scoring server;
editing this copy changes nothing except your own understanding.
"""

import jax, jax.numpy as jnp
import numpy as np

N_NODES = 10000
N_EDGES = 160000
D_IN = 256
D_OUT = 256


def setup_inputs(seed: int = 0) -> dict:
    key = jax.random.key(seed)
    k1, k2, k3, k4 = jax.random.split(key, 4)
    x = jax.random.normal(k1, (N_NODES, D_IN), dtype=jnp.float32)
    edge_index = jax.random.randint(k2, (2, N_EDGES), 0, N_NODES, dtype=jnp.int64)
    # GCNConv linear weight (glorot) and bias (zeros in PyG default, use small random for generality)
    W = jax.random.normal(k3, (D_IN, D_OUT), dtype=jnp.float32) * (1.0 / np.sqrt(D_IN))
    b = jnp.zeros((D_OUT,), dtype=jnp.float32)
    return {"x": x, "edge_index": edge_index, "W": W, "b": b}


def reference(x, edge_index, W, b):
    # GNNBlock forward (eval mode):
    #   x_res = x
    #   x = GCNConv(x, edge_index)   (add_self_loops=True, symmetric normalization, bias)
    #   x = Identity(x)              (normalizer)
    #   x = ReLU(x)
    #   x = x + Identity(x_res)      (in_channels == out_channels -> projection is Identity)
    #   x = Dropout(x)               (identity in eval mode)
    n = x.shape[0]
    src = edge_index[0]
    dst = edge_index[1]
    # add self loops
    loop = jnp.arange(n, dtype=src.dtype)
    src = jnp.concatenate([src, loop])
    dst = jnp.concatenate([dst, loop])
    ew = jnp.ones(src.shape[0], dtype=x.dtype)
    # symmetric gcn normalization: deg computed over target nodes
    deg = jnp.zeros((n,), dtype=x.dtype).at[dst].add(ew)
    dinv = jnp.where(deg > 0, jax.lax.rsqrt(deg), 0.0)
    norm = dinv[src] * dinv[dst]
    # linear transform then message passing (gather -> scale -> scatter-add)
    h = x @ W
    msg = h[src] * norm[:, None]
    out = jnp.zeros((n, h.shape[1]), dtype=x.dtype).at[dst].add(msg)
    out = out + b
    out = jax.nn.relu(out)
    out = out + x  # residual (projection is Identity)
    return out

if __name__ == "__main__":
    import jax
    _d = setup_inputs()
    print(jax.jit(kernel)(*tuple(_d.values())))

</pallas_src>

<mosaic_0001>
#map = affine_map<(d0, d1) -> (0, 0)>
module attributes {stable_mosaic.version = 14 : i64} {
  func.func @gcn_deg_sc(%arg0: i32, %arg1: i32, %arg2: memref<1280x128xi32, #tpu.memory_space<hbm>>, %arg3: memref<640x128xf32, #tpu.memory_space<hbm>>, %arg4: memref<128x128xf32, #tpu.memory_space<hbm>>, %arg5: memref<20480x128xf32, #tpu.memory_space<hbm>>, %arg6: memref<10240x128xf32, #tpu.memory_space<vmem_shared>>, %arg7: memref<40x128xi32, #tpu.memory_space<vmem>>, %arg8: memref<128x128xf32, #tpu.memory_space<vmem>>, %arg9: memref<!tpu.dma_semaphore, #tpu.memory_space<semaphore_mem>>) attributes {dimension_semantics = [#tpu.dimension_semantics<core_parallel>, #tpu.dimension_semantics<subcore_parallel>], iteration_bounds = array<i64: 2, 16>, scalar_prefetch = 0 : i64, scratch_operands = 4 : i64, tpu.core_type = #tpu.core_type<sc_vector_subcore>, window_params = [{transform_indices = #map}, {transform_indices = #map}, {transform_indices = #map}, {transform_indices = #map}]} {
    %mul3A = arith.constant 2 : i32
    %mul3A_0 = arith.muli %arg1, %mul3A : i32
    %add3A = arith.addi %mul3A_0, %arg0 : i32
    %mul3A_1 = arith.constant 40 : i32
    %mul3A_2 = arith.muli %add3A, %mul3A_1 : i32
    %dma_start3A = arith.constant 0 : i32
    %dma_start3A_3 = tpu.memref_slice %arg2[%mul3A_2, %dma_start3A] : memref<1280x128xi32, #tpu.memory_space<hbm>> -> memref<40x128xi32, #tpu.memory_space<hbm>>
    %dma_start3A_4 = arith.constant 0 : i32
    %dma_start3A_5 = tpu.memref_slice %arg2[%mul3A_2, %dma_start3A_4] : memref<1280x128xi32, #tpu.memory_space<hbm>> -> memref<40x128xi32, #tpu.memory_space<hbm>>
    tpu.enqueue_dma source(%dma_start3A_5 : memref<40x128xi32, #tpu.memory_space<hbm>>) target(%arg7 : memref<40x128xi32, #tpu.memory_space<vmem>>) target_semaphore(%arg9 : memref<!tpu.dma_semaphore, #tpu.memory_space<semaphore_mem>>)
    %dma_wait3A = arith.constant 0 : i32
    %dma_wait3A_6 = tpu.memref_slice %arg2[%mul3A_2, %dma_wait3A] : memref<1280x128xi32, #tpu.memory_space<hbm>> -> memref<40x128xi32, #tpu.memory_space<hbm>>
    %dma_wait3A_7 = arith.constant 0 : i32
    %dma_wait3A_8 = tpu.memref_slice %arg2[%mul3A_2, %dma_wait3A_7] : memref<1280x128xi32, #tpu.memory_space<hbm>> -> memref<40x128xi32, #tpu.memory_space<hbm>>
    tpu.wait_dma2 semaphore(%arg9 : memref<!tpu.dma_semaphore, #tpu.memory_space<semaphore_mem>>) src(%dma_wait3A_8 : memref<40x128xi32, #tpu.memory_space<hbm>>) dst(%arg7 : memref<40x128xi32, #tpu.memory_space<vmem>>)
    tpu.enqueue_dma source(%arg4 : memref<128x128xf32, #tpu.memory_space<hbm>>) target(%arg8 : memref<128x128xf32, #tpu.memory_space<vmem>>) target_semaphore(%arg9 : memref<!tpu.dma_semaphore, #tpu.memory_space<semaphore_mem>>)
    tpu.wait_dma2 semaphore(%arg9 : memref<!tpu.dma_semaphore, #tpu.memory_space<semaphore_mem>>) src(%arg4 : memref<128x128xf32, #tpu.memory_space<hbm>>) dst(%arg8 : memref<128x128xf32, #tpu.memory_space<vmem>>)
    %mul3A_9 = arith.constant 640 : i32
    %mul3A_10 = arith.muli %arg1, %mul3A_9 : i32
    %dma_start3A_11 = arith.constant 0 : i32
    %dma_start3A_12 = tpu.memref_slice %arg6[%mul3A_10, %dma_start3A_11] : memref<10240x128xf32, #tpu.memory_space<vmem_shared>> -> memref<640x128xf32, #tpu.memory_space<vmem_shared>>
    tpu.enqueue_dma source(%arg3 : memref<640x128xf32, #tpu.memory_space<hbm>>) target(%dma_start3A_12 : memref<640x128xf32, #tpu.memory_space<vmem_shared>>) target_semaphore(%arg9 : memref<!tpu.dma_semaphore, #tpu.memory_space<semaphore_mem>>)
    %dma_wait3A_13 = arith.constant 0 : i32
    %dma_wait3A_14 = tpu.memref_slice %arg6[%mul3A_10, %dma_wait3A_13] : memref<10240x128xf32, #tpu.memory_space<vmem_shared>> -> memref<640x128xf32, #tpu.memory_space<vmem_shared>>
    tpu.wait_dma2 semaphore(%arg9 : memref<!tpu.dma_semaphore, #tpu.memory_space<semaphore_mem>>) src(%arg3 : memref<640x128xf32, #tpu.memory_space<hbm>>) dst(%dma_wait3A_14 : memref<640x128xf32, #tpu.memory_space<vmem_shared>>)
    %barrier3A = arith.constant 0 : index
    tpu.barrier barrier_id(%barrier3A)
    %scan3A = arith.constant 0 : i32
    %scan3A_15 = arith.constant 0 : i32
    %scan3A_16 = arith.constant 40 : i32
    %scan3A_17 = arith.addi %scan3A_15, %scan3A_16 : i32
    %scan3A_18 = arith.constant 1 : i32
    scf.for %scan3A_36 = %scan3A_15 to %scan3A_17 step %scan3A_18  : i32 {
      "tpu.region"() ({
        %run_scoped3A = tpu.sem_alloc : memref<!tpu.dma_semaphore, #tpu.memory_space<semaphore_mem>>
        %dma_start3A_37 = arith.constant 0 : i32
        %dma_start3A_38 = tpu.memref_slice %arg7[%scan3A_36, %dma_start3A_37] : memref<40x128xi32, #tpu.memory_space<vmem>> -> memref<1x128xi32, #tpu.memory_space<vmem>>
        %dma_start3A_39 = tpu.memref_squeeze %dma_start3A_38 : memref<1x128xi32, #tpu.memory_space<vmem>> -> memref<128xi32, #tpu.memory_space<vmem>>
        %dma_start3A_40 = arith.constant 0 : i32
        %dma_start3A_41 = arith.constant 0 : i32
        %dma_start3A_42 = tpu.memref_slice %arg6[%dma_start3A_40, %dma_start3A_41] : memref<10240x128xf32, #tpu.memory_space<vmem_shared>> -> memref<10240x128xf32, #tpu.memory_space<vmem_shared>>
        tpu.enqueue_indirect_dma source(%arg8 : memref<128x128xf32, #tpu.memory_space<vmem>>) target(%dma_start3A_42 : memref<10240x128xf32, #tpu.memory_space<vmem_shared>>) offsets(%dma_start3A_39 : memref<128xi32, #tpu.memory_space<vmem>>) semaphore(%run_scoped3A : memref<!tpu.dma_semaphore, #tpu.memory_space<semaphore_mem>>) {add = true}
        %dma_wait3A_43 = arith.constant 0 : i32
        %dma_wait3A_44 = tpu.memref_slice %arg7[%scan3A_36, %dma_wait3A_43] : memref<40x128xi32, #tpu.memory_space<vmem>> -> memref<1x128xi32, #tpu.memory_space<vmem>>
        %dma_wait3A_45 = tpu.memref_squeeze %dma_wait3A_44 : memref<1x128xi32, #tpu.memory_space<vmem>> -> memref<128xi32, #tpu.memory_space<vmem>>
        %dma_wait3A_46 = arith.constant 0 : i32
        %dma_wait3A_47 = arith.constant 0 : i32
        %dma_wait3A_48 = tpu.memref_slice %arg6[%dma_wait3A_46, %dma_wait3A_47] : memref<10240x128xf32, #tpu.memory_space<vmem_shared>> -> memref<10240x128xf32, #tpu.memory_space<vmem_shared>>
        tpu.wait_indirect_dma semaphore(%run_scoped3A : memref<!tpu.dma_semaphore, #tpu.memory_space<semaphore_mem>>) src(%arg8 : memref<128x128xf32, #tpu.memory_space<vmem>>) dst(%dma_wait3A_48 : memref<10240x128xf32, #tpu.memory_space<vmem_shared>>)
        tpu.yield
      }) : () -> ()
    }
    %scan3A_19 = arith.constant 40 : i32
    %barrier3A_20 = arith.constant 0 : index
    tpu.barrier barrier_id(%barrier3A_20)
    %mul3A_21 = arith.constant 640 : i32
    %mul3A_22 = arith.muli %arg1, %mul3A_21 : i32
    %mul3A_23 = arith.constant 10240 : i32
    %mul3A_24 = arith.muli %arg0, %mul3A_23 : i32
    %mul3A_25 = arith.constant 640 : i32
    %mul3A_26 = arith.muli %arg1, %mul3A_25 : i32
    %add3A_27 = arith.addi %mul3A_24, %mul3A_26 : i32
    %dma_start3A_28 = arith.constant 0 : i32
    %dma_start3A_29 = tpu.memref_slice %arg5[%add3A_27, %dma_start3A_28] : memref<20480x128xf32, #tpu.memory_space<hbm>> -> memref<640x128xf32, #tpu.memory_space<hbm>>
    %dma_start3A_30 = arith.constant 0 : i32
    %dma_start3A_31 = tpu.memref_slice %arg6[%mul3A_22, %dma_start3A_30] : memref<10240x128xf32, #tpu.memory_space<vmem_shared>> -> memref<640x128xf32, #tpu.memory_space<vmem_shared>>
    tpu.enqueue_dma source(%dma_start3A_31 : memref<640x128xf32, #tpu.memory_space<vmem_shared>>) target(%dma_start3A_29 : memref<640x128xf32, #tpu.memory_space<hbm>>) target_semaphore(%arg9 : memref<!tpu.dma_semaphore, #tpu.memory_space<semaphore_mem>>)
    %dma_wait3A_32 = arith.constant 0 : i32
    %dma_wait3A_33 = tpu.memref_slice %arg5[%add3A_27, %dma_wait3A_32] : memref<20480x128xf32, #tpu.memory_space<hbm>> -> memref<640x128xf32, #tpu.memory_space<hbm>>
    %dma_wait3A_34 = arith.constant 0 : i32
    %dma_wait3A_35 = tpu.memref_slice %arg6[%mul3A_22, %dma_wait3A_34] : memref<10240x128xf32, #tpu.memory_space<vmem_shared>> -> memref<640x128xf32, #tpu.memory_space<vmem_shared>>
    tpu.wait_dma2 semaphore(%arg9 : memref<!tpu.dma_semaphore, #tpu.memory_space<semaphore_mem>>) src(%dma_wait3A_35 : memref<640x128xf32, #tpu.memory_space<vmem_shared>>) dst(%dma_wait3A_33 : memref<640x128xf32, #tpu.memory_space<hbm>>)
    return
  }
}

#map = affine_map<(d0, d1) -> (0, 0)>
module attributes {stable_mosaic.version = 14 : i64} {
  func.func @gcn_agg_sc(%arg0: i32, %arg1: i32, %arg2: memref<20480x128xf32, #tpu.memory_space<hbm>>, %arg3: memref<2560x128xi32, #tpu.memory_space<hbm>>, %arg4: memref<1280x128xi32, #tpu.memory_space<hbm>>, %arg5: memref<20480x128xf32, #tpu.memory_space<hbm>>, %arg6: memref<10240x128xf32, #tpu.memory_space<vmem_shared>>, %arg7: memref<40x128xi32, #tpu.memory_space<vmem>>, %arg8: memref<40x128xi32, #tpu.memory_space<vmem>>, %arg9: memref<128x128xf32, #tpu.memory_space<vmem>>, %arg10: memref<128x128xf32, #tpu.memory_space<vmem>>, %arg11: memref<!tpu.dma_semaphore, #tpu.memory_space<semaphore_mem>>, %arg12: memref<!tpu.dma_semaphore, #tpu.memory_space<semaphore_mem>>, %arg13: memref<!tpu.dma_semaphore, #tpu.memory_space<semaphore_mem>>) attributes {dimension_semantics = [#tpu.dimension_semantics<core_parallel>, #tpu.dimension_semantics<subcore_parallel>], iteration_bounds = array<i64: 2, 16>, scalar_prefetch = 0 : i64, scratch_operands = 8 : i64, tpu.core_type = #tpu.core_type<sc_vector_subcore>, window_params = [{transform_indices = #map}, {transform_indices = #map}, {transform_indices = #map}, {transform_indices = #map}]} {
    %mul3A = arith.constant 10240 : i32
    %mul3A_0 = arith.muli %arg0, %mul3A : i32
    %mul3A_1 = arith.constant 640 : i32
    %mul3A_2 = arith.muli %arg1, %mul3A_1 : i32
    %add3A = arith.addi %mul3A_0, %mul3A_2 : i32
    %mul3A_3 = arith.constant 640 : i32
    %mul3A_4 = arith.muli %arg1, %mul3A_3 : i32
    %dma_start3A = arith.constant 0 : i32
    %dma_start3A_5 = tpu.memref_slice %arg6[%mul3A_4, %dma_start3A] : memref<10240x128xf32, #tpu.memory_space<vmem_shared>> -> memref<640x128xf32, #tpu.memory_space<vmem_shared>>
    %dma_start3A_6 = arith.constant 0 : i32
    %dma_start3A_7 = tpu.memref_slice %arg2[%add3A, %dma_start3A_6] : memref<20480x128xf32, #tpu.memory_space<hbm>> -> memref<640x128xf32, #tpu.memory_space<hbm>>
    tpu.enqueue_dma source(%dma_start3A_7 : memref<640x128xf32, #tpu.memory_space<hbm>>) target(%dma_start3A_5 : memref<640x128xf32, #tpu.memory_space<vmem_shared>>) target_semaphore(%arg11 : memref<!tpu.dma_semaphore, #tpu.memory_space<semaphore_mem>>)
    %dma_wait3A = arith.constant 0 : i32
    %dma_wait3A_8 = tpu.memref_slice %arg6[%mul3A_4, %dma_wait3A] : memref<10240x128xf32, #tpu.memory_space<vmem_shared>> -> memref<640x128xf32, #tpu.memory_space<vmem_shared>>
    %dma_wait3A_9 = arith.constant 0 : i32
    %dma_wait3A_10 = tpu.memref_slice %arg2[%add3A, %dma_wait3A_9] : memref<20480x128xf32, #tpu.memory_space<hbm>> -> memref<640x128xf32, #tpu.memory_space<hbm>>
    tpu.wait_dma2 semaphore(%arg11 : memref<!tpu.dma_semaphore, #tpu.memory_space<semaphore_mem>>) src(%dma_wait3A_10 : memref<640x128xf32, #tpu.memory_space<hbm>>) dst(%dma_wait3A_8 : memref<640x128xf32, #tpu.memory_space<vmem_shared>>)
    %barrier3A = arith.constant 0 : index
    tpu.barrier barrier_id(%barrier3A)
    %mul3A_11 = arith.constant 16 : i32
    %mul3A_12 = arith.muli %arg0, %mul3A_11 : i32
    %add3A_13 = arith.addi %mul3A_12, %arg1 : i32
    %mul3A_14 = arith.constant 80 : i32
    %mul3A_15 = arith.muli %add3A_13, %mul3A_14 : i32
    %add3A_16 = arith.constant 0 : i32
    %add3A_17 = arith.addi %mul3A_15, %add3A_16 : i32
    %dma_start3A_18 = arith.constant 0 : i32
    %dma_start3A_19 = tpu.memref_slice %arg3[%add3A_17, %dma_start3A_18] : memref<2560x128xi32, #tpu.memory_space<hbm>> -> memref<40x128xi32, #tpu.memory_space<hbm>>
    %dma_start3A_20 = arith.constant 0 : i32
    %dma_start3A_21 = tpu.memref_slice %arg3[%add3A_17, %dma_start3A_20] : memref<2560x128xi32, #tpu.memory_space<hbm>> -> memref<40x128xi32, #tpu.memory_space<hbm>>
    tpu.enqueue_dma source(%dma_start3A_21 : memref<40x128xi32, #tpu.memory_space<hbm>>) target(%arg7 : memref<40x128xi32, #tpu.memory_space<vmem>>) target_semaphore(%arg12 : memref<!tpu.dma_semaphore, #tpu.memory_space<semaphore_mem>>)
    %dma_wait3A_22 = arith.constant 0 : i32
    %dma_wait3A_23 = tpu.memref_slice %arg3[%add3A_17, %dma_wait3A_22] : memref<2560x128xi32, #tpu.memory_space<hbm>> -> memref<40x128xi32, #tpu.memory_space<hbm>>
    %dma_wait3A_24 = arith.constant 0 : i32
    %dma_wait3A_25 = tpu.memref_slice %arg3[%add3A_17, %dma_wait3A_24] : memref<2560x128xi32, #tpu.memory_space<hbm>> -> memref<40x128xi32, #tpu.memory_space<hbm>>
    tpu.wait_dma2 semaphore(%arg12 : memref<!tpu.dma_semaphore, #tpu.memory_space<semaphore_mem>>) src(%dma_wait3A_25 : memref<40x128xi32, #tpu.memory_space<hbm>>) dst(%arg7 : memref<40x128xi32, #tpu.memory_space<vmem>>)
    %mul3A_26 = arith.constant 80 : i32
    %mul3A_27 = arith.muli %arg1, %mul3A_26 : i32
    %add3A_28 = arith.constant 0 : i32
    %add3A_29 = arith.addi %mul3A_27, %add3A_28 : i32
    %dma_start3A_30 = arith.constant 0 : i32
    %dma_start3A_31 = tpu.memref_slice %arg4[%add3A_29, %dma_start3A_30] : memref<1280x128xi32, #tpu.memory_space<hbm>> -> memref<40x128xi32, #tpu.memory_space<hbm>>
    %dma_start3A_32 = arith.constant 0 : i32
    %dma_start3A_33 = tpu.memref_slice %arg4[%add3A_29, %dma_start3A_32] : memref<1280x128xi32, #tpu.memory_space<hbm>> -> memref<40x128xi32, #tpu.memory_space<hbm>>
    tpu.enqueue_dma source(%dma_start3A_33 : memref<40x128xi32, #tpu.memory_space<hbm>>) target(%arg8 : memref<40x128xi32, #tpu.memory_space<vmem>>) target_semaphore(%arg13 : memref<!tpu.dma_semaphore, #tpu.memory_space<semaphore_mem>>)
    %dma_wait3A_34 = arith.constant 0 : i32
    %dma_wait3A_35 = tpu.memref_slice %arg4[%add3A_29, %dma_wait3A_34] : memref<1280x128xi32, #tpu.memory_space<hbm>> -> memref<40x128xi32, #tpu.memory_space<hbm>>
    %dma_wait3A_36 = arith.constant 0 : i32
    %dma_wait3A_37 = tpu.memref_slice %arg4[%add3A_29, %dma_wait3A_36] : memref<1280x128xi32, #tpu.memory_space<hbm>> -> memref<40x128xi32, #tpu.memory_space<hbm>>
    tpu.wait_dma2 semaphore(%arg13 : memref<!tpu.dma_semaphore, #tpu.memory_space<semaphore_mem>>) src(%dma_wait3A_37 : memref<40x128xi32, #tpu.memory_space<hbm>>) dst(%arg8 : memref<40x128xi32, #tpu.memory_space<vmem>>)
    %dma_start3A_38 = arith.constant 0 : i32
    %dma_start3A_39 = arith.constant 0 : i32
    %dma_start3A_40 = tpu.memref_slice %arg7[%dma_start3A_38, %dma_start3A_39] : memref<40x128xi32, #tpu.memory_space<vmem>> -> memref<1x128xi32, #tpu.memory_space<vmem>>
    %dma_start3A_41 = tpu.memref_squeeze %dma_start3A_40 : memref<1x128xi32, #tpu.memory_space<vmem>> -> memref<128xi32, #tpu.memory_space<vmem>>
    %dma_start3A_42 = arith.constant 0 : i32
    %dma_start3A_43 = arith.constant 0 : i32
    %dma_start3A_44 = tpu.memref_slice %arg2[%dma_start3A_42, %dma_start3A_43] : memref<20480x128xf32, #tpu.memory_space<hbm>> -> memref<20480x128xf32, #tpu.memory_space<hbm>>
    tpu.enqueue_indirect_dma source(%dma_start3A_44 : memref<20480x128xf32, #tpu.memory_space<hbm>>) target(%arg9 : memref<128x128xf32, #tpu.memory_space<vmem>>) offsets(%dma_start3A_41 : memref<128xi32, #tpu.memory_space<vmem>>) semaphore(%arg12 : memref<!tpu.dma_semaphore, #tpu.memory_space<semaphore_mem>>)
    %dma_start3A_45 = arith.constant 1 : i32
    %dma_start3A_46 = arith.constant 0 : i32
    %dma_start3A_47 = tpu.memref_slice %arg7[%dma_start3A_45, %dma_start3A_46] : memref<40x128xi32, #tpu.memory_space<vmem>> -> memref<1x128xi32, #tpu.memory_space<vmem>>
    %dma_start3A_48 = tpu.memref_squeeze %dma_start3A_47 : memref<1x128xi32, #tpu.memory_space<vmem>> -> memref<128xi32, #tpu.memory_space<vmem>>
    %dma_start3A_49 = arith.constant 0 : i32
    %dma_start3A_50 = arith.constant 0 : i32
    %dma_start3A_51 = tpu.memref_slice %arg2[%dma_start3A_49, %dma_start3A_50] : memref<20480x128xf32, #tpu.memory_space<hbm>> -> memref<20480x128xf32, #tpu.memory_space<hbm>>
    tpu.enqueue_indirect_dma source(%dma_start3A_51 : memref<20480x128xf32, #tpu.memory_space<hbm>>) target(%arg10 : memref<128x128xf32, #tpu.memory_space<vmem>>) offsets(%dma_start3A_48 : memref<128xi32, #tpu.memory_space<vmem>>) semaphore(%arg13 : memref<!tpu.dma_semaphore, #tpu.memory_space<semaphore_mem>>)
    %scan3A = arith.constant 0 : i32
    %scan3A_52 = arith.constant 0 : i32
    %scan3A_53 = arith.constant 19 : i32
    %scan3A_54 = arith.addi %scan3A_52, %scan3A_53 : i32
    %scan3A_55 = arith.constant 1 : i32
    scf.for %scan3A_146 = %scan3A_52 to %scan3A_54 step %scan3A_55  : i32 {
      %mul3A_147 = arith.constant 2 : i32
      %mul3A_148 = arith.muli %mul3A_147, %scan3A_146 : i32
      %dma_wait3A_149 = arith.constant 0 : i32
      %dma_wait3A_150 = arith.constant 0 : i32
      %dma_wait3A_151 = tpu.memref_slice %arg7[%dma_wait3A_149, %dma_wait3A_150] : memref<40x128xi32, #tpu.memory_space<vmem>> -> memref<1x128xi32, #tpu.memory_space<vmem>>
      %dma_wait3A_152 = tpu.memref_squeeze %dma_wait3A_151 : memref<1x128xi32, #tpu.memory_space<vmem>> -> memref<128xi32, #tpu.memory_space<vmem>>
      %dma_wait3A_153 = arith.constant 0 : i32
      %dma_wait3A_154 = arith.constant 0 : i32
      %dma_wait3A_155 = tpu.memref_slice %arg2[%dma_wait3A_153, %dma_wait3A_154] : memref<20480x128xf32, #tpu.memory_space<hbm>> -> memref<20480x128xf32, #tpu.memory_space<hbm>>
      tpu.wait_indirect_dma semaphore(%arg12 : memref<!tpu.dma_semaphore, #tpu.memory_space<semaphore_mem>>) src(%dma_wait3A_155 : memref<20480x128xf32, #tpu.memory_space<hbm>>) dst(%arg9 : memref<128x128xf32, #tpu.memory_space<vmem>>)
      "tpu.region"() ({
        %run_scoped3A_181 = tpu.sem_alloc : memref<!tpu.dma_semaphore, #tpu.memory_space<semaphore_mem>>
        %dma_start3A_182 = arith.constant 0 : i32
        %dma_start3A_183 = tpu.memref_slice %arg8[%mul3A_148, %dma_start3A_182] : memref<40x128xi32, #tpu.memory_space<vmem>> -> memref<1x128xi32, #tpu.memory_space<vmem>>
        %dma_start3A_184 = tpu.memref_squeeze %dma_start3A_183 : memref<1x128xi32, #tpu.memory_space<vmem>> -> memref<128xi32, #tpu.memory_space<vmem>>
        %dma_start3A_185 = arith.constant 0 : i32
        %dma_start3A_186 = arith.constant 0 : i32
        %dma_start3A_187 = tpu.memref_slice %arg6[%dma_start3A_185, %dma_start3A_186] : memref<10240x128xf32, #tpu.memory_space<vmem_shared>> -> memref<10240x128xf32, #tpu.memory_space<vmem_shared>>
        tpu.enqueue_indirect_dma source(%arg9 : memref<128x128xf32, #tpu.memory_space<vmem>>) target(%dma_start3A_187 : memref<10240x128xf32, #tpu.memory_space<vmem_shared>>) offsets(%dma_start3A_184 : memref<128xi32, #tpu.memory_space<vmem>>) semaphore(%run_scoped3A_181 : memref<!tpu.dma_semaphore, #tpu.memory_space<semaphore_mem>>) {add = true}
        %dma_wait3A_188 = arith.constant 0 : i32
        %dma_wait3A_189 = tpu.memref_slice %arg8[%mul3A_148, %dma_wait3A_188] : memref<40x128xi32, #tpu.memory_space<vmem>> -> memref<1x128xi32, #tpu.memory_space<vmem>>
        %dma_wait3A_190 = tpu.memref_squeeze %dma_wait3A_189 : memref<1x128xi32, #tpu.memory_space<vmem>> -> memref<128xi32, #tpu.memory_space<vmem>>
        %dma_wait3A_191 = arith.constant 0 : i32
        %dma_wait3A_192 = arith.constant 0 : i32
        %dma_wait3A_193 = tpu.memref_slice %arg6[%dma_wait3A_191, %dma_wait3A_192] : memref<10240x128xf32, #tpu.memory_space<vmem_shared>> -> memref<10240x128xf32, #tpu.memory_space<vmem_shared>>
        tpu.wait_indirect_dma semaphore(%run_scoped3A_181 : memref<!tpu.dma_semaphore, #tpu.memory_space<semaphore_mem>>) src(%arg9 : memref<128x128xf32, #tpu.memory_space<vmem>>) dst(%dma_wait3A_193 : memref<10240x128xf32, #tpu.memory_space<vmem_shared>>)
        tpu.yield
      }) : () -> ()
      %add3A_156 = arith.constant 2 : i32
      %add3A_157 = arith.addi %mul3A_148, %add3A_156 : i32
      %dma_start3A_158 = arith.constant 0 : i32
      %dma_start3A_159 = tpu.memref_slice %arg7[%add3A_157, %dma_start3A_158] : memref<40x128xi32, #tpu.memory_space<vmem>> -> memref<1x128xi32, #tpu.memory_space<vmem>>
      %dma_start3A_160 = tpu.memref_squeeze %dma_start3A_159 : memref<1x128xi32, #tpu.memory_space<vmem>> -> memref<128xi32, #tpu.memory_space<vmem>>
      %dma_start3A_161 = arith.constant 0 : i32
      %dma_start3A_162 = arith.constant 0 : i32
      %dma_start3A_163 = tpu.memref_slice %arg2[%dma_start3A_161, %dma_start3A_162] : memref<20480x128xf32, #tpu.memory_space<hbm>> -> memref<20480x128xf32, #tpu.memory_space<hbm>>
      tpu.enqueue_indirect_dma source(%dma_start3A_163 : memref<20480x128xf32, #tpu.memory_space<hbm>>) target(%arg9 : memref<128x128xf32, #tpu.memory_space<vmem>>) offsets(%dma_start3A_160 : memref<128xi32, #tpu.memory_space<vmem>>) semaphore(%arg12 : memref<!tpu.dma_semaphore, #tpu.memory_space<semaphore_mem>>)
      %dma_wait3A_164 = arith.constant 0 : i32
      %dma_wait3A_165 = arith.constant 0 : i32
      %dma_wait3A_166 = tpu.memref_slice %arg7[%dma_wait3A_164, %dma_wait3A_165] : memref<40x128xi32, #tpu.memory_space<vmem>> -> memref<1x128xi32, #tpu.memory_space<vmem>>
      %dma_wait3A_167 = tpu.memref_squeeze %dma_wait3A_166 : memref<1x128xi32, #tpu.memory_space<vmem>> -> memref<128xi32, #tpu.memory_space<vmem>>
      %dma_wait3A_168 = arith.constant 0 : i32
      %dma_wait3A_169 = arith.constant 0 : i32
      %dma_wait3A_170 = tpu.memref_slice %arg2[%dma_wait3A_168, %dma_wait3A_169] : memref<20480x128xf32, #tpu.memory_space<hbm>> -> memref<20480x128xf32, #tpu.memory_space<hbm>>
      tpu.wait_indirect_dma semaphore(%arg13 : memref<!tpu.dma_semaphore, #tpu.memory_space<semaphore_mem>>) src(%dma_wait3A_170 : memref<20480x128xf32, #tpu.memory_space<hbm>>) dst(%arg10 : memref<128x128xf32, #tpu.memory_space<vmem>>)
      %add3A_171 = arith.constant 1 : i32
      %add3A_172 = arith.addi %mul3A_148, %add3A_171 : i32
      "tpu.region"() ({
        %run_scoped3A_181 = tpu.sem_alloc : memref<!tpu.dma_semaphore, #tpu.memory_space<semaphore_mem>>
        %dma_start3A_182 = arith.constant 0 : i32
        %dma_start3A_183 = tpu.memref_slice %arg8[%add3A_172, %dma_start3A_182] : memref<40x128xi32, #tpu.memory_space<vmem>> -> memref<1x128xi32, #tpu.memory_space<vmem>>
        %dma_start3A_184 = tpu.memref_squeeze %dma_start3A_183 : memref<1x128xi32, #tpu.memory_space<vmem>> -> memref<128xi32, #tpu.memory_space<vmem>>
        %dma_start3A_185 = arith.constant 0 : i32
        %dma_start3A_186 = arith.constant 0 : i32
        %dma_start3A_187 = tpu.memref_slice %arg6[%dma_start3A_185, %dma_start3A_186] : memref<10240x128xf32, #tpu.memory_space<vmem_shared>> -> memref<10240x128xf32, #tpu.memory_space<vmem_shared>>
        tpu.enqueue_indirect_dma source(%arg10 : memref<128x128xf32, #tpu.memory_space<vmem>>) target(%dma_start3A_187 : memref<10240x128xf32, #tpu.memory_space<vmem_shared>>) offsets(%dma_start3A_184 : memref<128xi32, #tpu.memory_space<vmem>>) semaphore(%run_scoped3A_181 : memref<!tpu.dma_semaphore, #tpu.memory_space<semaphore_mem>>) {add = true}
        %dma_wait3A_188 = arith.constant 0 : i32
        %dma_wait3A_189 = tpu.memref_slice %arg8[%add3A_172, %dma_wait3A_188] : memref<40x128xi32, #tpu.memory_space<vmem>> -> memref<1x128xi32, #tpu.memory_space<vmem>>
        %dma_wait3A_190 = tpu.memref_squeeze %dma_wait3A_189 : memref<1x128xi32, #tpu.memory_space<vmem>> -> memref<128xi32, #tpu.memory_space<vmem>>
        %dma_wait3A_191 = arith.constant 0 : i32
        %dma_wait3A_192 = arith.constant 0 : i32
        %dma_wait3A_193 = tpu.memref_slice %arg6[%dma_wait3A_191, %dma_wait3A_192] : memref<10240x128xf32, #tpu.memory_space<vmem_shared>> -> memref<10240x128xf32, #tpu.memory_space<vmem_shared>>
        tpu.wait_indirect_dma semaphore(%run_scoped3A_181 : memref<!tpu.dma_semaphore, #tpu.memory_space<semaphore_mem>>) src(%arg10 : memref<128x128xf32, #tpu.memory_space<vmem>>) dst(%dma_wait3A_193 : memref<10240x128xf32, #tpu.memory_space<vmem_shared>>)
        tpu.yield
      }) : () -> ()
      %add3A_173 = arith.constant 3 : i32
      %add3A_174 = arith.addi %mul3A_148, %add3A_173 : i32
      %dma_start3A_175 = arith.constant 0 : i32
      %dma_start3A_176 = tpu.memref_slice %arg7[%add3A_174, %dma_start3A_175] : memref<40x128xi32, #tpu.memory_space<vmem>> -> memref<1x128xi32, #tpu.memory_space<vmem>>
      %dma_start3A_177 = tpu.memref_squeeze %dma_start3A_176 : memref<1x128xi32, #tpu.memory_space<vmem>> -> memref<128xi32, #tpu.memory_space<vmem>>
      %dma_start3A_178 = arith.constant 0 : i32
      %dma_start3A_179 = arith.constant 0 : i32
      %dma_start3A_180 = tpu.memref_slice %arg2[%dma_start3A_178, %dma_start3A_179] : memref<20480x128xf32, #tpu.memory_space<hbm>> -> memref<20480x128xf32, #tpu.memory_space<hbm>>
      tpu.enqueue_indirect_dma source(%dma_start3A_180 : memref<20480x128xf32, #tpu.memory_space<hbm>>) target(%arg10 : memref<128x128xf32, #tpu.memory_space<vmem>>) offsets(%dma_start3A_177 : memref<128xi32, #tpu.memory_space<vmem>>) semaphore(%arg13 : memref<!tpu.dma_semaphore, #tpu.memory_space<semaphore_mem>>)
    }
    %scan3A_56 = arith.constant 19 : i32
    %dma_wait3A_57 = arith.constant 0 : i32
    %dma_wait3A_58 = arith.constant 0 : i32
    %dma_wait3A_59 = tpu.memref_slice %arg7[%dma_wait3A_57, %dma_wait3A_58] : memref<40x128xi32, #tpu.memory_space<vmem>> -> memref<1x128xi32, #tpu.memory_space<vmem>>
    %dma_wait3A_60 = tpu.memref_squeeze %dma_wait3A_59 : memref<1x128xi32, #tpu.memory_space<vmem>> -> memref<128xi32, #tpu.memory_space<vmem>>
    %dma_wait3A_61 = arith.constant 0 : i32
    %dma_wait3A_62 = arith.constant 0 : i32
    %dma_wait3A_63 = tpu.memref_slice %arg2[%dma_wait3A_61, %dma_wait3A_62] : memref<20480x128xf32, #tpu.memory_space<hbm>> -> memref<20480x128xf32, #tpu.memory_space<hbm>>
    tpu.wait_indirect_dma semaphore(%arg12 : memref<!tpu.dma_semaphore, #tpu.memory_space<semaphore_mem>>) src(%dma_wait3A_63 : memref<20480x128xf32, #tpu.memory_space<hbm>>) dst(%arg9 : memref<128x128xf32, #tpu.memory_space<vmem>>)
    %run_scoped3A = arith.constant 38 : i32
    "tpu.region"() ({
      %run_scoped3A_146 = tpu.sem_alloc : memref<!tpu.dma_semaphore, #tpu.memory_space<semaphore_mem>>
      %dma_start3A_147 = arith.constant 0 : i32
      %dma_start3A_148 = tpu.memref_slice %arg8[%run_scoped3A, %dma_start3A_147] : memref<40x128xi32, #tpu.memory_space<vmem>> -> memref<1x128xi32, #tpu.memory_space<vmem>>
      %dma_start3A_149 = tpu.memref_squeeze %dma_start3A_148 : memref<1x128xi32, #tpu.memory_space<vmem>> -> memref<128xi32, #tpu.memory_space<vmem>>
      %dma_start3A_150 = arith.constant 0 : i32
      %dma_start3A_151 = arith.constant 0 : i32
      %dma_start3A_152 = tpu.memref_slice %arg6[%dma_start3A_150, %dma_start3A_151] : memref<10240x128xf32, #tpu.memory_space<vmem_shared>> -> memref<10240x128xf32, #tpu.memory_space<vmem_shared>>
      tpu.enqueue_indirect_dma source(%arg9 : memref<128x128xf32, #tpu.memory_space<vmem>>) target(%dma_start3A_152 : memref<10240x128xf32, #tpu.memory_space<vmem_shared>>) offsets(%dma_start3A_149 : memref<128xi32, #tpu.memory_space<vmem>>) semaphore(%run_scoped3A_146 : memref<!tpu.dma_semaphore, #tpu.memory_space<semaphore_mem>>) {add = true}
      %dma_wait3A_153 = arith.constant 0 : i32
      %dma_wait3A_154 = tpu.memref_slice %arg8[%run_scoped3A, %dma_wait3A_153] : memref<40x128xi32, #tpu.memory_space<vmem>> -> memref<1x128xi32, #tpu.memory_space<vmem>>
      %dma_wait3A_155 = tpu.memref_squeeze %dma_wait3A_154 : memref<1x128xi32, #tpu.memory_space<vmem>> -> memref<128xi32, #tpu.memory_space<vmem>>
      %dma_wait3A_156 = arith.constant 0 : i32
      %dma_wait3A_157 = arith.constant 0 : i32
      %dma_wait3A_158 = tpu.memref_slice %arg6[%dma_wait3A_156, %dma_wait3A_157] : memref<10240x128xf32, #tpu.memory_space<vmem_shared>> -> memref<10240x128xf32, #tpu.memory_space<vmem_shared>>
      tpu.wait_indirect_dma semaphore(%run_scoped3A_146 : memref<!tpu.dma_semaphore, #tpu.memory_space<semaphore_mem>>) src(%arg9 : memref<128x128xf32, #tpu.memory_space<vmem>>) dst(%dma_wait3A_158 : memref<10240x128xf32, #tpu.memory_space<vmem_shared>>)
      tpu.yield
    }) : () -> ()
    %dma_wait3A_64 = arith.constant 0 : i32
    %dma_wait3A_65 = arith.constant 0 : i32
    %dma_wait3A_66 = tpu.memref_slice %arg7[%dma_wait3A_64, %dma_wait3A_65] : memref<40x128xi32, #tpu.memory_space<vmem>> -> memref<1x128xi32, #tpu.memory_space<vmem>>
    %dma_wait3A_67 = tpu.memref_squeeze %dma_wait3A_66 : memref<1x128xi32, #tpu.memory_space<vmem>> -> memref<128xi32, #tpu.memory_space<vmem>>
    %dma_wait3A_68 = arith.constant 0 : i32
    %dma_wait3A_69 = arith.constant 0 : i32
    %dma_wait3A_70 = tpu.memref_slice %arg2[%dma_wait3A_68, %dma_wait3A_69] : memref<20480x128xf32, #tpu.memory_space<hbm>> -> memref<20480x128xf32, #tpu.memory_space<hbm>>
    tpu.wait_indirect_dma semaphore(%arg13 : memref<!tpu.dma_semaphore, #tpu.memory_space<semaphore_mem>>) src(%dma_wait3A_70 : memref<20480x128xf32, #tpu.memory_space<hbm>>) dst(%arg10 : memref<128x128xf32, #tpu.memory_space<vmem>>)
    %run_scoped3A_71 = arith.constant 39 : i32
    "tpu.region"() ({
      %run_scoped3A_146 = tpu.sem_alloc : memref<!tpu.dma_semaphore, #tpu.memory_space<semaphore_mem>>
      %dma_start3A_147 = arith.constant 0 : i32
      %dma_start3A_148 = tpu.memref_slice %arg8[%run_scoped3A_71, %dma_start3A_147] : memref<40x128xi32, #tpu.memory_space<vmem>> -> memref<1x128xi32, #tpu.memory_space<vmem>>
      %dma_start3A_149 = tpu.memref_squeeze %dma_start3A_148 : memref<1x128xi32, #tpu.memory_space<vmem>> -> memref<128xi32, #tpu.memory_space<vmem>>
      %dma_start3A_150 = arith.constant 0 : i32
      %dma_start3A_151 = arith.constant 0 : i32
      %dma_start3A_152 = tpu.memref_slice %arg6[%dma_start3A_150, %dma_start3A_151] : memref<10240x128xf32, #tpu.memory_space<vmem_shared>> -> memref<10240x128xf32, #tpu.memory_space<vmem_shared>>
      tpu.enqueue_indirect_dma source(%arg10 : memref<128x128xf32, #tpu.memory_space<vmem>>) target(%dma_start3A_152 : memref<10240x128xf32, #tpu.memory_space<vmem_shared>>) offsets(%dma_start3A_149 : memref<128xi32, #tpu.memory_space<vmem>>) semaphore(%run_scoped3A_146 : memref<!tpu.dma_semaphore, #tpu.memory_space<semaphore_mem>>) {add = true}
      %dma_wait3A_153 = arith.constant 0 : i32
      %dma_wait3A_154 = tpu.memref_slice %arg8[%run_scoped3A_71, %dma_wait3A_153] : memref<40x128xi32, #tpu.memory_space<vmem>> -> memref<1x128xi32, #tpu.memory_space<vmem>>
      %dma_wait3A_155 = tpu.memref_squeeze %dma_wait3A_154 : memref<1x128xi32, #tpu.memory_space<vmem>> -> memref<128xi32, #tpu.memory_space<vmem>>
      %dma_wait3A_156 = arith.constant 0 : i32
      %dma_wait3A_157 = arith.constant 0 : i32
      %dma_wait3A_158 = tpu.memref_slice %arg6[%dma_wait3A_156, %dma_wait3A_157] : memref<10240x128xf32, #tpu.memory_space<vmem_shared>> -> memref<10240x128xf32, #tpu.memory_space<vmem_shared>>
      tpu.wait_indirect_dma semaphore(%run_scoped3A_146 : memref<!tpu.dma_semaphore, #tpu.memory_space<semaphore_mem>>) src(%arg10 : memref<128x128xf32, #tpu.memory_space<vmem>>) dst(%dma_wait3A_158 : memref<10240x128xf32, #tpu.memory_space<vmem_shared>>)
      tpu.yield
    }) : () -> ()
    %mul3A_72 = arith.constant 16 : i32
    %mul3A_73 = arith.muli %arg0, %mul3A_72 : i32
    %add3A_74 = arith.addi %mul3A_73, %arg1 : i32
    %mul3A_75 = arith.constant 80 : i32
    %mul3A_76 = arith.muli %add3A_74, %mul3A_75 : i32
    %add3A_77 = arith.constant 40 : i32
    %add3A_78 = arith.addi %mul3A_76, %add3A_77 : i32
    %dma_start3A_79 = arith.constant 0 : i32
    %dma_start3A_80 = tpu.memref_slice %arg3[%add3A_78, %dma_start3A_79] : memref<2560x128xi32, #tpu.memory_space<hbm>> -> memref<40x128xi32, #tpu.memory_space<hbm>>
    %dma_start3A_81 = arith.constant 0 : i32
    %dma_start3A_82 = tpu.memref_slice %arg3[%add3A_78, %dma_start3A_81] : memref<2560x128xi32, #tpu.memory_space<hbm>> -> memref<40x128xi32, #tpu.memory_space<hbm>>
    tpu.enqueue_dma source(%dma_start3A_82 : memref<40x128xi32, #tpu.memory_space<hbm>>) target(%arg7 : memref<40x128xi32, #tpu.memory_space<vmem>>) target_semaphore(%arg12 : memref<!tpu.dma_semaphore, #tpu.memory_space<semaphore_mem>>)
    %dma_wait3A_83 = arith.constant 0 : i32
    %dma_wait3A_84 = tpu.memref_slice %arg3[%add3A_78, %dma_wait3A_83] : memref<2560x128xi32, #tpu.memory_space<hbm>> -> memref<40x128xi32, #tpu.memory_space<hbm>>
    %dma_wait3A_85 = arith.constant 0 : i32
    %dma_wait3A_86 = tpu.memref_slice %arg3[%add3A_78, %dma_wait3A_85] : memref<2560x128xi32, #tpu.memory_space<hbm>> -> memref<40x128xi32, #tpu.memory_space<hbm>>
    tpu.wait_dma2 semaphore(%arg12 : memref<!tpu.dma_semaphore, #tpu.memory_space<semaphore_mem>>) src(%dma_wait3A_86 : memref<40x128xi32, #tpu.memory_space<hbm>>) dst(%arg7 : memref<40x128xi32, #tpu.memory_space<vmem>>)
    %mul3A_87 = arith.constant 80 : i32
    %mul3A_88 = arith.muli %arg1, %mul3A_87 : i32
    %add3A_89 = arith.constant 40 : i32
    %add3A_90 = arith.addi %mul3A_88, %add3A_89 : i32
    %dma_start3A_91 = arith.constant 0 : i32
    %dma_start3A_92 = tpu.memref_slice %arg4[%add3A_90, %dma_start3A_91] : memref<1280x128xi32, #tpu.memory_space<hbm>> -> memref<40x128xi32, #tpu.memory_space<hbm>>
    %dma_start3A_93 = arith.constant 0 : i32
    %dma_start3A_94 = tpu.memref_slice %arg4[%add3A_90, %dma_start3A_93] : memref<1280x128xi32, #tpu.memory_space<hbm>> -> memref<40x128xi32, #tpu.memory_space<hbm>>
    tpu.enqueue_dma source(%dma_start3A_94 : memref<40x128xi32, #tpu.memory_space<hbm>>) target(%arg8 : memref<40x128xi32, #tpu.memory_space<vmem>>) target_semaphore(%arg13 : memref<!tpu.dma_semaphore, #tpu.memory_space<semaphore_mem>>)
    %dma_wait3A_95 = arith.constant 0 : i32
    %dma_wait3A_96 = tpu.memref_slice %arg4[%add3A_90, %dma_wait3A_95] : memref<1280x128xi32, #tpu.memory_space<hbm>> -> memref<40x128xi32, #tpu.memory_space<hbm>>
    %dma_wait3A_97 = arith.constant 0 : i32
    %dma_wait3A_98 = tpu.memref_slice %arg4[%add3A_90, %dma_wait3A_97] : memref<1280x128xi32, #tpu.memory_space<hbm>> -> memref<40x128xi32, #tpu.memory_space<hbm>>
    tpu.wait_dma2 semaphore(%arg13 : memref<!tpu.dma_semaphore, #tpu.memory_space<semaphore_mem>>) src(%dma_wait3A_98 : memref<40x128xi32, #tpu.memory_space<hbm>>) dst(%arg8 : memref<40x128xi32, #tpu.memory_space<vmem>>)
    %dma_start3A_99 = arith.constant 0 : i32
    %dma_start3A_100 = arith.constant 0 : i32
    %dma_start3A_101 = tpu.memref_slice %arg7[%dma_start3A_99, %dma_start3A_100] : memref<40x128xi32, #tpu.memory_space<vmem>> -> memref<1x128xi32, #tpu.memory_space<vmem>>
    %dma_start3A_102 = tpu.memref_squeeze %dma_start3A_101 : memref<1x128xi32, #tpu.memory_space<vmem>> -> memref<128xi32, #tpu.memory_space<vmem>>
    %dma_start3A_103 = arith.constant 0 : i32
    %dma_start3A_104 = arith.constant 0 : i32
    %dma_start3A_105 = tpu.memref_slice %arg2[%dma_start3A_103, %dma_start3A_104] : memref<20480x128xf32, #tpu.memory_space<hbm>> -> memref<20480x128xf32, #tpu.memory_space<hbm>>
    tpu.enqueue_indirect_dma source(%dma_start3A_105 : memref<20480x128xf32, #tpu.memory_space<hbm>>) target(%arg9 : memref<128x128xf32, #tpu.memory_space<vmem>>) offsets(%dma_start3A_102 : memref<128xi32, #tpu.memory_space<vmem>>) semaphore(%arg12 : memref<!tpu.dma_semaphore, #tpu.memory_space<semaphore_mem>>)
    %dma_start3A_106 = arith.constant 1 : i32
    %dma_start3A_107 = arith.constant 0 : i32
    %dma_start3A_108 = tpu.memref_slice %arg7[%dma_start3A_106, %dma_start3A_107] : memref<40x128xi32, #tpu.memory_space<vmem>> -> memref<1x128xi32, #tpu.memory_space<vmem>>
    %dma_start3A_109 = tpu.memref_squeeze %dma_start3A_108 : memref<1x128xi32, #tpu.memory_space<vmem>> -> memref<128xi32, #tpu.memory_space<vmem>>
    %dma_start3A_110 = arith.constant 0 : i32
    %dma_start3A_111 = arith.constant 0 : i32
    %dma_start3A_112 = tpu.memref_slice %arg2[%dma_start3A_110, %dma_start3A_111] : memref<20480x128xf32, #tpu.memory_space<hbm>> -> memref<20480x128xf32, #tpu.memory_space<hbm>>
    tpu.enqueue_indirect_dma source(%dma_start3A_112 : memref<20480x128xf32, #tpu.memory_space<hbm>>) target(%arg10 : memref<128x128xf32, #tpu.memory_space<vmem>>) offsets(%dma_start3A_109 : memref<128xi32, #tpu.memory_space<vmem>>) semaphore(%arg13 : memref<!tpu.dma_semaphore, #tpu.memory_space<semaphore_mem>>)
    %scan3A_113 = arith.constant 0 : i32
    %scan3A_114 = arith.constant 0 : i32
    %scan3A_115 = arith.constant 19 : i32
    %scan3A_116 = arith.addi %scan3A_114, %scan3A_115 : i32
    %scan3A_117 = arith.constant 1 : i32
    scf.for %scan3A_146 = %scan3A_114 to %scan3A_116 step %scan3A_117  : i32 {
      %mul3A_147 = arith.constant 2 : i32
      %mul3A_148 = arith.muli %mul3A_147, %scan3A_146 : i32
      %dma_wait3A_149 = arith.constant 0 : i32
      %dma_wait3A_150 = arith.constant 0 : i32
      %dma_wait3A_151 = tpu.memref_slice %arg7[%dma_wait3A_149, %dma_wait3A_150] : memref<40x128xi32, #tpu.memory_space<vmem>> -> memref<1x128xi32, #tpu.memory_space<vmem>>
      %dma_wait3A_152 = tpu.memref_squeeze %dma_wait3A_151 : memref<1x128xi32, #tpu.memory_space<vmem>> -> memref<128xi32, #tpu.memory_space<vmem>>
      %dma_wait3A_153 = arith.constant 0 : i32
      %dma_wait3A_154 = arith.constant 0 : i32
      %dma_wait3A_155 = tpu.memref_slice %arg2[%dma_wait3A_153, %dma_wait3A_154] : memref<20480x128xf32, #tpu.memory_space<hbm>> -> memref<20480x128xf32, #tpu.memory_space<hbm>>
      tpu.wait_indirect_dma semaphore(%arg12 : memref<!tpu.dma_semaphore, #tpu.memory_space<semaphore_mem>>) src(%dma_wait3A_155 : memref<20480x128xf32, #tpu.memory_space<hbm>>) dst(%arg9 : memref<128x128xf32, #tpu.memory_space<vmem>>)
      "tpu.region"() ({
        %run_scoped3A_181 = tpu.sem_alloc : memref<!tpu.dma_semaphore, #tpu.memory_space<semaphore_mem>>
        %dma_start3A_182 = arith.constant 0 : i32
        %dma_start3A_183 = tpu.memref_slice %arg8[%mul3A_148, %dma_start3A_182] : memref<40x128xi32, #tpu.memory_space<vmem>> -> memref<1x128xi32, #tpu.memory_space<vmem>>
        %dma_start3A_184 = tpu.memref_squeeze %dma_start3A_183 : memref<1x128xi32, #tpu.memory_space<vmem>> -> memref<128xi32, #tpu.memory_space<vmem>>
        %dma_start3A_185 = arith.constant 0 : i32
        %dma_start3A_186 = arith.constant 0 : i32
        %dma_start3A_187 = tpu.memref_slice %arg6[%dma_start3A_185, %dma_start3A_186] : memref<10240x128xf32, #tpu.memory_space<vmem_shared>> -> memref<10240x128xf32, #tpu.memory_space<vmem_shared>>
        tpu.enqueue_indirect_dma source(%arg9 : memref<128x128xf32, #tpu.memory_space<vmem>>) target(%dma_start3A_187 : memref<10240x128xf32, #tpu.memory_space<vmem_shared>>) offsets(%dma_start3A_184 : memref<128xi32, #tpu.memory_space<vmem>>) semaphore(%run_scoped3A_181 : memref<!tpu.dma_semaphore, #tpu.memory_space<semaphore_mem>>) {add = true}
        %dma_wait3A_188 = arith.constant 0 : i32
        %dma_wait3A_189 = tpu.memref_slice %arg8[%mul3A_148, %dma_wait3A_188] : memref<40x128xi32, #tpu.memory_space<vmem>> -> memref<1x128xi32, #tpu.memory_space<vmem>>
        %dma_wait3A_190 = tpu.memref_squeeze %dma_wait3A_189 : memref<1x128xi32, #tpu.memory_space<vmem>> -> memref<128xi32, #tpu.memory_space<vmem>>
        %dma_wait3A_191 = arith.constant 0 : i32
        %dma_wait3A_192 = arith.constant 0 : i32
        %dma_wait3A_193 = tpu.memref_slice %arg6[%dma_wait3A_191, %dma_wait3A_192] : memref<10240x128xf32, #tpu.memory_space<vmem_shared>> -> memref<10240x128xf32, #tpu.memory_space<vmem_shared>>
        tpu.wait_indirect_dma semaphore(%run_scoped3A_181 : memref<!tpu.dma_semaphore, #tpu.memory_space<semaphore_mem>>) src(%arg9 : memref<128x128xf32, #tpu.memory_space<vmem>>) dst(%dma_wait3A_193 : memref<10240x128xf32, #tpu.memory_space<vmem_shared>>)
        tpu.yield
      }) : () -> ()
      %add3A_156 = arith.constant 2 : i32
      %add3A_157 = arith.addi %mul3A_148, %add3A_156 : i32
      %dma_start3A_158 = arith.constant 0 : i32
      %dma_start3A_159 = tpu.memref_slice %arg7[%add3A_157, %dma_start3A_158] : memref<40x128xi32, #tpu.memory_space<vmem>> -> memref<1x128xi32, #tpu.memory_space<vmem>>
      %dma_start3A_160 = tpu.memref_squeeze %dma_start3A_159 : memref<1x128xi32, #tpu.memory_space<vmem>> -> memref<128xi32, #tpu.memory_space<vmem>>
      %dma_start3A_161 = arith.constant 0 : i32
      %dma_start3A_162 = arith.constant 0 : i32
      %dma_start3A_163 = tpu.memref_slice %arg2[%dma_start3A_161, %dma_start3A_162] : memref<20480x128xf32, #tpu.memory_space<hbm>> -> memref<20480x128xf32, #tpu.memory_space<hbm>>
      tpu.enqueue_indirect_dma source(%dma_start3A_163 : memref<20480x128xf32, #tpu.memory_space<hbm>>) target(%arg9 : memref<128x128xf32, #tpu.memory_space<vmem>>) offsets(%dma_start3A_160 : memref<128xi32, #tpu.memory_space<vmem>>) semaphore(%arg12 : memref<!tpu.dma_semaphore, #tpu.memory_space<semaphore_mem>>)
      %dma_wait3A_164 = arith.constant 0 : i32
      %dma_wait3A_165 = arith.constant 0 : i32
      %dma_wait3A_166 = tpu.memref_slice %arg7[%dma_wait3A_164, %dma_wait3A_165] : memref<40x128xi32, #tpu.memory_space<vmem>> -> memref<1x128xi32, #tpu.memory_space<vmem>>
      %dma_wait3A_167 = tpu.memref_squeeze %dma_wait3A_166 : memref<1x128xi32, #tpu.memory_space<vmem>> -> memref<128xi32, #tpu.memory_space<vmem>>
      %dma_wait3A_168 = arith.constant 0 : i32
      %dma_wait3A_169 = arith.constant 0 : i32
      %dma_wait3A_170 = tpu.memref_slice %arg2[%dma_wait3A_168, %dma_wait3A_169] : memref<20480x128xf32, #tpu.memory_space<hbm>> -> memref<20480x128xf32, #tpu.memory_space<hbm>>
      tpu.wait_indirect_dma semaphore(%arg13 : memref<!tpu.dma_semaphore, #tpu.memory_space<semaphore_mem>>) src(%dma_wait3A_170 : memref<20480x128xf32, #tpu.memory_space<hbm>>) dst(%arg10 : memref<128x128xf32, #tpu.memory_space<vmem>>)
      %add3A_171 = arith.constant 1 : i32
      %add3A_172 = arith.addi %mul3A_148, %add3A_171 : i32
      "tpu.region"() ({
        %run_scoped3A_181 = tpu.sem_alloc : memref<!tpu.dma_semaphore, #tpu.memory_space<semaphore_mem>>
        %dma_start3A_182 = arith.constant 0 : i32
        %dma_start3A_183 = tpu.memref_slice %arg8[%add3A_172, %dma_start3A_182] : memref<40x128xi32, #tpu.memory_space<vmem>> -> memref<1x128xi32, #tpu.memory_space<vmem>>
        %dma_start3A_184 = tpu.memref_squeeze %dma_start3A_183 : memref<1x128xi32, #tpu.memory_space<vmem>> -> memref<128xi32, #tpu.memory_space<vmem>>
        %dma_start3A_185 = arith.constant 0 : i32
        %dma_start3A_186 = arith.constant 0 : i32
        %dma_start3A_187 = tpu.memref_slice %arg6[%dma_start3A_185, %dma_start3A_186] : memref<10240x128xf32, #tpu.memory_space<vmem_shared>> -> memref<10240x128xf32, #tpu.memory_space<vmem_shared>>
        tpu.enqueue_indirect_dma source(%arg10 : memref<128x128xf32, #tpu.memory_space<vmem>>) target(%dma_start3A_187 : memref<10240x128xf32, #tpu.memory_space<vmem_shared>>) offsets(%dma_start3A_184 : memref<128xi32, #tpu.memory_space<vmem>>) semaphore(%run_scoped3A_181 : memref<!tpu.dma_semaphore, #tpu.memory_space<semaphore_mem>>) {add = true}
        %dma_wait3A_188 = arith.constant 0 : i32
        %dma_wait3A_189 = tpu.memref_slice %arg8[%add3A_172, %dma_wait3A_188] : memref<40x128xi32, #tpu.memory_space<vmem>> -> memref<1x128xi32, #tpu.memory_space<vmem>>
        %dma_wait3A_190 = tpu.memref_squeeze %dma_wait3A_189 : memref<1x128xi32, #tpu.memory_space<vmem>> -> memref<128xi32, #tpu.memory_space<vmem>>
        %dma_wait3A_191 = arith.constant 0 : i32
        %dma_wait3A_192 = arith.constant 0 : i32
        %dma_wait3A_193 = tpu.memref_slice %arg6[%dma_wait3A_191, %dma_wait3A_192] : memref<10240x128xf32, #tpu.memory_space<vmem_shared>> -> memref<10240x128xf32, #tpu.memory_space<vmem_shared>>
        tpu.wait_indirect_dma semaphore(%run_scoped3A_181 : memref<!tpu.dma_semaphore, #tpu.memory_space<semaphore_mem>>) src(%arg10 : memref<128x128xf32, #tpu.memory_space<vmem>>) dst(%dma_wait3A_193 : memref<10240x128xf32, #tpu.memory_space<vmem_shared>>)
        tpu.yield
      }) : () -> ()
      %add3A_173 = arith.constant 3 : i32
      %add3A_174 = arith.addi %mul3A_148, %add3A_173 : i32
      %dma_start3A_175 = arith.constant 0 : i32
      %dma_start3A_176 = tpu.memref_slice %arg7[%add3A_174, %dma_start3A_175] : memref<40x128xi32, #tpu.memory_space<vmem>> -> memref<1x128xi32, #tpu.memory_space<vmem>>
      %dma_start3A_177 = tpu.memref_squeeze %dma_start3A_176 : memref<1x128xi32, #tpu.memory_space<vmem>> -> memref<128xi32, #tpu.memory_space<vmem>>
      %dma_start3A_178 = arith.constant 0 : i32
      %dma_start3A_179 = arith.constant 0 : i32
      %dma_start3A_180 = tpu.memref_slice %arg2[%dma_start3A_178, %dma_start3A_179] : memref<20480x128xf32, #tpu.memory_space<hbm>> -> memref<20480x128xf32, #tpu.memory_space<hbm>>
      tpu.enqueue_indirect_dma source(%dma_start3A_180 : memref<20480x128xf32, #tpu.memory_space<hbm>>) target(%arg10 : memref<128x128xf32, #tpu.memory_space<vmem>>) offsets(%dma_start3A_177 : memref<128xi32, #tpu.memory_space<vmem>>) semaphore(%arg13 : memref<!tpu.dma_semaphore, #tpu.memory_space<semaphore_mem>>)
    }
    %scan3A_118 = arith.constant 19 : i32
    %dma_wait3A_119 = arith.constant 0 : i32
    %dma_wait3A_120 = arith.constant 0 : i32
    %dma_wait3A_121 = tpu.memref_slice %arg7[%dma_wait3A_119, %dma_wait3A_120] : memref<40x128xi32, #tpu.memory_space<vmem>> -> memref<1x128xi32, #tpu.memory_space<vmem>>
    %dma_wait3A_122 = tpu.memref_squeeze %dma_wait3A_121 : memref<1x128xi32, #tpu.memory_space<vmem>> -> memref<128xi32, #tpu.memory_space<vmem>>
    %dma_wait3A_123 = arith.constant 0 : i32
    %dma_wait3A_124 = arith.constant 0 : i32
    %dma_wait3A_125 = tpu.memref_slice %arg2[%dma_wait3A_123, %dma_wait3A_124] : memref<20480x128xf32, #tpu.memory_space<hbm>> -> memref<20480x128xf32, #tpu.memory_space<hbm>>
    tpu.wait_indirect_dma semaphore(%arg12 : memref<!tpu.dma_semaphore, #tpu.memory_space<semaphore_mem>>) src(%dma_wait3A_125 : memref<20480x128xf32, #tpu.memory_space<hbm>>) dst(%arg9 : memref<128x128xf32, #tpu.memory_space<vmem>>)
    %run_scoped3A_126 = arith.constant 38 : i32
    "tpu.region"() ({
      %run_scoped3A_146 = tpu.sem_alloc : memref<!tpu.dma_semaphore, #tpu.memory_space<semaphore_mem>>
      %dma_start3A_147 = arith.constant 0 : i32
      %dma_start3A_148 = tpu.memref_slice %arg8[%run_scoped3A_126, %dma_start3A_147] : memref<40x128xi32, #tpu.memory_space<vmem>> -> memref<1x128xi32, #tpu.memory_space<vmem>>
      %dma_start3A_149 = tpu.memref_squeeze %dma_start3A_148 : memref<1x128xi32, #tpu.memory_space<vmem>> -> memref<128xi32, #tpu.memory_space<vmem>>
      %dma_start3A_150 = arith.constant 0 : i32
      %dma_start3A_151 = arith.constant 0 : i32
      %dma_start3A_152 = tpu.memref_slice %arg6[%dma_start3A_150, %dma_start3A_151] : memref<10240x128xf32, #tpu.memory_space<vmem_shared>> -> memref<10240x128xf32, #tpu.memory_space<vmem_shared>>
      tpu.enqueue_indirect_dma source(%arg9 : memref<128x128xf32, #tpu.memory_space<vmem>>) target(%dma_start3A_152 : memref<10240x128xf32, #tpu.memory_space<vmem_shared>>) offsets(%dma_start3A_149 : memref<128xi32, #tpu.memory_space<vmem>>) semaphore(%run_scoped3A_146 : memref<!tpu.dma_semaphore, #tpu.memory_space<semaphore_mem>>) {add = true}
      %dma_wait3A_153 = arith.constant 0 : i32
      %dma_wait3A_154 = tpu.memref_slice %arg8[%run_scoped3A_126, %dma_wait3A_153] : memref<40x128xi32, #tpu.memory_space<vmem>> -> memref<1x128xi32, #tpu.memory_space<vmem>>
      %dma_wait3A_155 = tpu.memref_squeeze %dma_wait3A_154 : memref<1x128xi32, #tpu.memory_space<vmem>> -> memref<128xi32, #tpu.memory_space<vmem>>
      %dma_wait3A_156 = arith.constant 0 : i32
      %dma_wait3A_157 = arith.constant 0 : i32
      %dma_wait3A_158 = tpu.memref_slice %arg6[%dma_wait3A_156, %dma_wait3A_157] : memref<10240x128xf32, #tpu.memory_space<vmem_shared>> -> memref<10240x128xf32, #tpu.memory_space<vmem_shared>>
      tpu.wait_indirect_dma semaphore(%run_scoped3A_146 : memref<!tpu.dma_semaphore, #tpu.memory_space<semaphore_mem>>) src(%arg9 : memref<128x128xf32, #tpu.memory_space<vmem>>) dst(%dma_wait3A_158 : memref<10240x128xf32, #tpu.memory_space<vmem_shared>>)
      tpu.yield
    }) : () -> ()
    %dma_wait3A_127 = arith.constant 0 : i32
    %dma_wait3A_128 = arith.constant 0 : i32
    %dma_wait3A_129 = tpu.memref_slice %arg7[%dma_wait3A_127, %dma_wait3A_128] : memref<40x128xi32, #tpu.memory_space<vmem>> -> memref<1x128xi32, #tpu.memory_space<vmem>>
    %dma_wait3A_130 = tpu.memref_squeeze %dma_wait3A_129 : memref<1x128xi32, #tpu.memory_space<vmem>> -> memref<128xi32, #tpu.memory_space<vmem>>
    %dma_wait3A_131 = arith.constant 0 : i32
    %dma_wait3A_132 = arith.constant 0 : i32
    %dma_wait3A_133 = tpu.memref_slice %arg2[%dma_wait3A_131, %dma_wait3A_132] : memref<20480x128xf32, #tpu.memory_space<hbm>> -> memref<20480x128xf32, #tpu.memory_space<hbm>>
    tpu.wait_indirect_dma semaphore(%arg13 : memref<!tpu.dma_semaphore, #tpu.memory_space<semaphore_mem>>) src(%dma_wait3A_133 : memref<20480x128xf32, #tpu.memory_space<hbm>>) dst(%arg10 : memref<128x128xf32, #tpu.memory_space<vmem>>)
    %run_scoped3A_134 = arith.constant 39 : i32
    "tpu.region"() ({
      %run_scoped3A_146 = tpu.sem_alloc : memref<!tpu.dma_semaphore, #tpu.memory_space<semaphore_mem>>
      %dma_start3A_147 = arith.constant 0 : i32
      %dma_start3A_148 = tpu.memref_slice %arg8[%run_scoped3A_134, %dma_start3A_147] : memref<40x128xi32, #tpu.memory_space<vmem>> -> memref<1x128xi32, #tpu.memory_space<vmem>>
      %dma_start3A_149 = tpu.memref_squeeze %dma_start3A_148 : memref<1x128xi32, #tpu.memory_space<vmem>> -> memref<128xi32, #tpu.memory_space<vmem>>
      %dma_start3A_150 = arith.constant 0 : i32
      %dma_start3A_151 = arith.constant 0 : i32
      %dma_start3A_152 = tpu.memref_slice %arg6[%dma_start3A_150, %dma_start3A_151] : memref<10240x128xf32, #tpu.memory_space<vmem_shared>> -> memref<10240x128xf32, #tpu.memory_space<vmem_shared>>
      tpu.enqueue_indirect_dma source(%arg10 : memref<128x128xf32, #tpu.memory_space<vmem>>) target(%dma_start3A_152 : memref<10240x128xf32, #tpu.memory_space<vmem_shared>>) offsets(%dma_start3A_149 : memref<128xi32, #tpu.memory_space<vmem>>) semaphore(%run_scoped3A_146 : memref<!tpu.dma_semaphore, #tpu.memory_space<semaphore_mem>>) {add = true}
      %dma_wait3A_153 = arith.constant 0 : i32
      %dma_wait3A_154 = tpu.memref_slice %arg8[%run_scoped3A_134, %dma_wait3A_153] : memref<40x128xi32, #tpu.memory_space<vmem>> -> memref<1x128xi32, #tpu.memory_space<vmem>>
      %dma_wait3A_155 = tpu.memref_squeeze %dma_wait3A_154 : memref<1x128xi32, #tpu.memory_space<vmem>> -> memref<128xi32, #tpu.memory_space<vmem>>
      %dma_wait3A_156 = arith.constant 0 : i32
      %dma_wait3A_157 = arith.constant 0 : i32
      %dma_wait3A_158 = tpu.memref_slice %arg6[%dma_wait3A_156, %dma_wait3A_157] : memref<10240x128xf32, #tpu.memory_space<vmem_shared>> -> memref<10240x128xf32, #tpu.memory_space<vmem_shared>>
      tpu.wait_indirect_dma semaphore(%run_scoped3A_146 : memref<!tpu.dma_semaphore, #tpu.memory_space<semaphore_mem>>) src(%arg10 : memref<128x128xf32, #tpu.memory_space<vmem>>) dst(%dma_wait3A_158 : memref<10240x128xf32, #tpu.memory_space<vmem_shared>>)
      tpu.yield
    }) : () -> ()
    %barrier3A_135 = arith.constant 0 : index
    tpu.barrier barrier_id(%barrier3A_135)
    %mul3A_136 = arith.constant 640 : i32
    %mul3A_137 = arith.muli %arg1, %mul3A_136 : i32
    %dma_start3A_138 = arith.constant 0 : i32
    %dma_start3A_139 = tpu.memref_slice %arg5[%add3A, %dma_start3A_138] : memref<20480x128xf32, #tpu.memory_space<hbm>> -> memref<640x128xf32, #tpu.memory_space<hbm>>
    %dma_start3A_140 = arith.constant 0 : i32
    %dma_start3A_141 = tpu.memref_slice %arg6[%mul3A_137, %dma_start3A_140] : memref<10240x128xf32, #tpu.memory_space<vmem_shared>> -> memref<640x128xf32, #tpu.memory_space<vmem_shared>>
    tpu.enqueue_dma source(%dma_start3A_141 : memref<640x128xf32, #tpu.memory_space<vmem_shared>>) target(%dma_start3A_139 : memref<640x128xf32, #tpu.memory_space<hbm>>) target_semaphore(%arg11 : memref<!tpu.dma_semaphore, #tpu.memory_space<semaphore_mem>>)
    %dma_wait3A_142 = arith.constant 0 : i32
    %dma_wait3A_143 = tpu.memref_slice %arg5[%add3A, %dma_wait3A_142] : memref<20480x128xf32, #tpu.memory_space<hbm>> -> memref<640x128xf32, #tpu.memory_space<hbm>>
    %dma_wait3A_144 = arith.constant 0 : i32
    %dma_wait3A_145 = tpu.memref_slice %arg6[%mul3A_137, %dma_wait3A_144] : memref<10240x128xf32, #tpu.memory_space<vmem_shared>> -> memref<640x128xf32, #tpu.memory_space<vmem_shared>>
    tpu.wait_dma2 semaphore(%arg11 : memref<!tpu.dma_semaphore, #tpu.memory_space<semaphore_mem>>) src(%dma_wait3A_145 : memref<640x128xf32, #tpu.memory_space<vmem_shared>>) dst(%dma_wait3A_143 : memref<640x128xf32, #tpu.memory_space<hbm>>)
    return
  }
}

module attributes {stable_mosaic.version = 14 : i64} {
  func.func @gcn_h_tc(%arg0: i32, %arg1: i32, %arg2: memref<2000x256xf32, #tpu.memory_space<vmem>>, %arg3: memref<256x128xf32, #tpu.memory_space<vmem>>, %arg4: memref<1x2000x128xf32, #tpu.memory_space<vmem>>) attributes {dimension_semantics = [#tpu.dimension_semantics<arbitrary>, #tpu.dimension_semantics<arbitrary>], iteration_bounds = array<i64: 2, 5>, scalar_prefetch = 0 : i64, scratch_operands = 0 : i64, tpu.core_type = #tpu.core_type<tc>, window_params = [{transform_indices = @transform_0, window_bounds = array<i64: 2000, 256>}, {transform_indices = @transform_1, window_bounds = array<i64: 256, 128>}, {transform_indices = @transform_2, window_bounds = array<i64: 1, 2000, 128>}]} {
    %get3A = arith.constant 0 : index
    %get3A_0 = arith.constant 0 : index
    %get3A_1 = vector.load %arg2[%get3A, %get3A_0] : memref<2000x256xf32, #tpu.memory_space<vmem>>, vector<2000x256xf32>
    %get3A_2 = arith.constant 0 : index
    %get3A_3 = arith.constant 0 : index
    %get3A_4 = vector.load %arg3[%get3A_2, %get3A_3] : memref<256x128xf32, #tpu.memory_space<vmem>>, vector<256x128xf32>
    %dot_general3A = arith.constant dense<0.000000e+00> : vector<2000x128xf32>
    %dot_general3A_5 = tpu.matmul %get3A_1, %get3A_4, %dot_general3A {dimension_numbers = #tpu.dot_dimension_numbers<[1], [0], [0], [1], [0, 0, 1, 1], [], []>, transpose_lhs_hint = false} : vector<2000x256xf32>, vector<256x128xf32>, vector<2000x128xf32> -> vector<2000x128xf32>
    %broadcast_in_dim3A = vector.shape_cast %dot_general3A_5 : vector<2000x128xf32> to vector<1x2000x128xf32>
    %swap3A = arith.constant 0 : index
    %swap3A_6 = arith.constant 0 : index
    %swap3A_7 = arith.constant 0 : index
    %swap3A_8 = vector.load %arg4[%swap3A, %swap3A_6, %swap3A_7] : memref<1x2000x128xf32, #tpu.memory_space<vmem>>, vector<1x2000x128xf32>
    tpu.vector_store %arg4[%swap3A, %swap3A_6, %swap3A_7], %broadcast_in_dim3A {strides = array<i32>} : memref<1x2000x128xf32, #tpu.memory_space<vmem>>, vector<1x2000x128xf32>,
    return
  }
  func.func @transform_0(%arg0: i32, %arg1: i32) -> (i32, i32) {
    %c0_i32 = arith.constant 0 : i32
    %c0_i32_0 = arith.constant 0 : i32
    return %arg1, %c0_i32 : i32, i32
  }
  func.func @transform_1(%arg0: i32, %arg1: i32) -> (i32, i32) {
    %c0_i32 = arith.constant 0 : i32
    %c0_i32_0 = arith.constant 0 : i32
    return %c0_i32, %arg0 : i32, i32
  }
  func.func @transform_2(%arg0: i32, %arg1: i32) -> (i32, i32, i32) {
    %c0_i32 = arith.constant 0 : i32
    %c0_i32_0 = arith.constant 0 : i32
    return %arg0, %arg1, %c0_i32 : i32, i32, i32
  }
}

module attributes {stable_mosaic.version = 14 : i64} {
  func.func @gcn_h2_tc(%arg0: i32, %arg1: i32, %arg2: memref<1x2000x128xf32, #tpu.memory_space<vmem>>, %arg3: memref<1x2000x128xf32, #tpu.memory_space<vmem>>, %arg4: memref<1x2000x128xf32, #tpu.memory_space<vmem>>, %arg5: memref<1x2000x128xf32, #tpu.memory_space<vmem>>, %arg6: memref<2000x1xf32, #tpu.memory_space<vmem>>) attributes {dimension_semantics = [#tpu.dimension_semantics<arbitrary>, #tpu.dimension_semantics<arbitrary>], iteration_bounds = array<i64: 2, 5>, scalar_prefetch = 0 : i64, scratch_operands = 0 : i64, tpu.core_type = #tpu.core_type<tc>, window_params = [{transform_indices = @transform_0, window_bounds = array<i64: 1, 2000, 128>}, {transform_indices = @transform_1, window_bounds = array<i64: 1, 2000, 128>}, {transform_indices = @transform_2, window_bounds = array<i64: 1, 2000, 128>}, {transform_indices = @transform_3, window_bounds = array<i64: 1, 2000, 128>}, {transform_indices = @transform_4, window_bounds = array<i64: 2000, 1>}]} {
    %get3A = arith.constant 0 : index
    %get3A_0 = arith.constant 0 : index
    %get3A_1 = arith.constant 0 : index
    %get3A_2 = vector.load %arg3[%get3A, %get3A_0, %get3A_1] : memref<1x2000x128xf32, #tpu.memory_space<vmem>>, vector<1x2000x1xf32>
    %get3A_3 = vector.shape_cast %get3A_2 : vector<1x2000x1xf32> to vector<2000xf32>
    %get3A_4 = arith.constant 0 : index
    %get3A_5 = arith.constant 0 : index
    %get3A_6 = arith.constant 0 : index
    %get3A_7 = vector.load %arg4[%get3A_4, %get3A_5, %get3A_6] : memref<1x2000x128xf32, #tpu.memory_space<vmem>>, vector<1x2000x1xf32>
    %get3A_8 = vector.shape_cast %get3A_7 : vector<1x2000x1xf32> to vector<2000xf32>
    %add3A = arith.addf %get3A_3, %get3A_8 : vector<2000xf32>
    %add3A_9 = arith.constant 1.000000e+00 : f32
    %add3A_10 = vector.broadcast %add3A_9 : f32 to vector<2000xf32>
    %add3A_11 = arith.addf %add3A, %add3A_10 : vector<2000xf32>
    %rsqrt3A = math.rsqrt %add3A_11 : vector<2000xf32>
    %get3A_12 = arith.constant 0 : index
    %get3A_13 = arith.constant 0 : index
    %get3A_14 = arith.constant 0 : index
    %get3A_15 = vector.load %arg2[%get3A_12, %get3A_13, %get3A_14] : memref<1x2000x128xf32, #tpu.memory_space<vmem>>, vector<1x2000x128xf32>
    %broadcast_in_dim3A = vector.shape_cast %rsqrt3A : vector<2000xf32> to vector<1x2000x1xf32>
    %mul3A = vector.broadcast %broadcast_in_dim3A : vector<1x2000x1xf32> to vector<1x2000x128xf32>
    %mul3A_16 = arith.mulf %get3A_15, %mul3A : vector<1x2000x128xf32>
    %swap3A = arith.constant 0 : index
    %swap3A_17 = arith.constant 0 : index
    %swap3A_18 = arith.constant 0 : index
    %swap3A_19 = vector.load %arg5[%swap3A, %swap3A_17, %swap3A_18] : memref<1x2000x128xf32, #tpu.memory_space<vmem>>, vector<1x2000x128xf32>
    tpu.vector_store %arg5[%swap3A, %swap3A_17, %swap3A_18], %mul3A_16 {strides = array<i32>} : memref<1x2000x128xf32, #tpu.memory_space<vmem>>, vector<1x2000x128xf32>,
    %broadcast_in_dim3A_20 = vector.shape_cast %rsqrt3A : vector<2000xf32> to vector<2000x1xf32>
    %swap3A_21 = arith.constant 0 : index
    %swap3A_22 = arith.constant 0 : index
    %swap3A_23 = vector.load %arg6[%swap3A_21, %swap3A_22] : memref<2000x1xf32, #tpu.memory_space<vmem>>, vector<2000x1xf32>
    tpu.vector_store %arg6[%swap3A_21, %swap3A_22], %broadcast_in_dim3A_20 {strides = array<i32>} : memref<2000x1xf32, #tpu.memory_space<vmem>>, vector<2000x1xf32>,
    return
  }
  func.func @transform_0(%arg0: i32, %arg1: i32) -> (i32, i32, i32) {
    %c0_i32 = arith.constant 0 : i32
    %c0_i32_0 = arith.constant 0 : i32
    return %arg0, %arg1, %c0_i32 : i32, i32, i32
  }
  func.func @transform_1(%arg0: i32, %arg1: i32) -> (i32, i32, i32) {
    %c0_i32 = arith.constant 0 : i32
    %c0_i32_0 = arith.constant 0 : i32
    %c0_i32_1 = arith.constant 0 : i32
    return %c0_i32, %arg1, %c0_i32_0 : i32, i32, i32
  }
  func.func @transform_2(%arg0: i32, %arg1: i32) -> (i32, i32, i32) {
    %c1_i32 = arith.constant 1 : i32
    %c0_i32 = arith.constant 0 : i32
    %c0_i32_0 = arith.constant 0 : i32
    return %c1_i32, %arg1, %c0_i32 : i32, i32, i32
  }
  func.func @transform_3(%arg0: i32, %arg1: i32) -> (i32, i32, i32) {
    %c0_i32 = arith.constant 0 : i32
    %c0_i32_0 = arith.constant 0 : i32
    return %arg0, %arg1, %c0_i32 : i32, i32, i32
  }
  func.func @transform_4(%arg0: i32, %arg1: i32) -> (i32, i32) {
    %c0_i32 = arith.constant 0 : i32
    %c0_i32_0 = arith.constant 0 : i32
    return %arg1, %c0_i32 : i32, i32
  }
}

module attributes {stable_mosaic.version = 14 : i64} {
  func.func @gcn_out_tc(%arg0: i32, %arg1: memref<80x128xf32, #tpu.memory_space<vmem>>, %arg2: memref<80x128xf32, #tpu.memory_space<vmem>>, %arg3: memref<80x256xf32, #tpu.memory_space<vmem>>, %arg4: memref<80x1xf32, #tpu.memory_space<vmem>>, %arg5: memref<256xf32, #tpu.memory_space<vmem>>, %arg6: memref<80x256xf32, #tpu.memory_space<vmem>>) attributes {dimension_semantics = [#tpu.dimension_semantics<arbitrary>], iteration_bounds = array<i64: 125>, scalar_prefetch = 0 : i64, scratch_operands = 0 : i64, tpu.core_type = #tpu.core_type<tc>, window_params = [{transform_indices = @transform_0, window_bounds = array<i64: 80, 128>}, {transform_indices = @transform_1, window_bounds = array<i64: 80, 128>}, {transform_indices = @transform_2, window_bounds = array<i64: 80, 256>}, {transform_indices = @transform_3, window_bounds = array<i64: 80, 1>}, {pipeline_mode = #tpu.pipeline_mode<synchronous>, transform_indices = @transform_4, window_bounds = array<i64: 256>}, {transform_indices = @transform_5, window_bounds = array<i64: 80, 256>}]} {
    %get3A = arith.constant 0 : index
    %get3A_0 = arith.constant 0 : index
    %get3A_1 = vector.load %arg1[%get3A, %get3A_0] : memref<80x128xf32, #tpu.memory_space<vmem>>, vector<80x128xf32>
    %get3A_2 = arith.constant 0 : index
    %get3A_3 = arith.constant 0 : index
    %get3A_4 = vector.load %arg2[%get3A_2, %get3A_3] : memref<80x128xf32, #tpu.memory_space<vmem>>, vector<80x128xf32>
    %concatenate3A = tpu.concatenate %get3A_1, %get3A_4 in 1 : vector<80x128xf32>, vector<80x128xf32> -> vector<80x256xf32>
    %get3A_5 = arith.constant 0 : index
    %get3A_6 = arith.constant 0 : index
    %get3A_7 = vector.load %arg4[%get3A_5, %get3A_6] : memref<80x1xf32, #tpu.memory_space<vmem>>, vector<80x1xf32>
    %mul3A = vector.broadcast %get3A_7 : vector<80x1xf32> to vector<80x256xf32>
    %mul3A_8 = arith.mulf %concatenate3A, %mul3A : vector<80x256xf32>
    %get3A_9 = arith.constant 0 : index
    %get3A_10 = vector.load %arg5[%get3A_9] : memref<256xf32, #tpu.memory_space<vmem>>, vector<256xf32>
    %broadcast_in_dim3A = vector.shape_cast %get3A_10 : vector<256xf32> to vector<1x256xf32>
    %add3A = vector.broadcast %broadcast_in_dim3A : vector<1x256xf32> to vector<80x256xf32>
    %add3A_11 = arith.addf %mul3A_8, %add3A : vector<80x256xf32>
    %max3A = arith.constant 0.000000e+00 : f32
    %max3A_12 = vector.broadcast %max3A : f32 to vector<80x256xf32>
    %max3A_13 = arith.maximumf %add3A_11, %max3A_12 : vector<80x256xf32>
    %get3A_14 = arith.constant 0 : index
    %get3A_15 = arith.constant 0 : index
    %get3A_16 = vector.load %arg3[%get3A_14, %get3A_15] : memref<80x256xf32, #tpu.memory_space<vmem>>, vector<80x256xf32>
    %add3A_17 = arith.addf %max3A_13, %get3A_16 : vector<80x256xf32>
    %swap3A = arith.constant 0 : index
    %swap3A_18 = arith.constant 0 : index
    %swap3A_19 = vector.load %arg6[%swap3A, %swap3A_18] : memref<80x256xf32, #tpu.memory_space<vmem>>, vector<80x256xf32>
    tpu.vector_store %arg6[%swap3A, %swap3A_18], %add3A_17 {strides = array<i32>} : memref<80x256xf32, #tpu.memory_space<vmem>>, vector<80x256xf32>,
    return
  }
  func.func @transform_0(%arg0: i32) -> (i32, i32) {
    %c0_i32 = arith.constant 0 : i32
    %c0_i32_0 = arith.constant 0 : i32
    return %arg0, %c0_i32 : i32, i32
  }
  func.func @transform_1(%arg0: i32) -> (i32, i32) {
    %add3A = arith.constant 128 : i32
    %add3A_0 = arith.addi %add3A, %arg0 : i32
    %c0_i32 = arith.constant 0 : i32
    %c0_i32_1 = arith.constant 0 : i32
    return %add3A_0, %c0_i32 : i32, i32
  }
  func.func @transform_2(%arg0: i32) -> (i32, i32) {
    %c0_i32 = arith.constant 0 : i32
    %c0_i32_0 = arith.constant 0 : i32
    return %arg0, %c0_i32 : i32, i32
  }
  func.func @transform_3(%arg0: i32) -> (i32, i32) {
    %c0_i32 = arith.constant 0 : i32
    %c0_i32_0 = arith.constant 0 : i32
    return %arg0, %c0_i32 : i32, i32
  }
  func.func @transform_4(%arg0: i32) -> i32 {
    %c0_i32 = arith.constant 0 : i32
    %c0_i32_0 = arith.constant 0 : i32
    return %c0_i32 : i32
  }
  func.func @transform_5(%arg0: i32) -> (i32, i32) {
    %c0_i32 = arith.constant 0 : i32
    %c0_i32_0 = arith.constant 0 : i32
    return %arg0, %c0_i32 : i32, i32
  }
}

</mosaic_0001>

<sc_bundles>
// kernel: gcn_agg_sc.3.cloned.1.call-start
scs
__scs_entry_jumppad:
0x0: {  	(pc) =	sbr.rel $0x88, $3  }
0x1: {  	(tag) =	ssettag $0x0;
	lr =	simm.s32 $0x1  }
0x2: {  	[smem:$0x3F9D] =	sst lr;
	_ =	strace $0xD0000000  }
0x3: {  	_ = 	snop  }
0x4: {  	_ = 	snop  }
0x5: {  	_ = 	snop  }
0x6: {  	_ = 	snop  }
0x7: {  	_ = 	snop  }
__scs_overlays_trampoline_lowered:
0x8: {  	[smem:$0x3FAC] =	sst s0  }
0x9: {  	[smem:$0x3FAD] =	sst s1  }
0xa: {  	[smem:$0x3FAE] =	sst s2  }
0xb: {  	[smem:$0x3FAF] =	sst s3  }
0xc: {  	[smem:$0x3FB0] =	sst s4  }
0xd: {  	[smem:$0x3FB1] =	sst s5  }
0xe: {  	[smem:$0x3FB2] =	sst s6  }
0xf: {  	[smem:$0x3FB3] =	sst s7  }
0x10: {  	[smem:$0x3FB4] =	sst s8  }
0x11: {  	[smem:$0x3FB5] =	sst s9;
	s0 =	simm.s32 @!p0 $0x0  }
0x12: {  	s1 =	sld [smem:$0x3F9B];
	s0 =	simm.s32 @p0 $0x1  }
0x13: {  	[smem:$0x3FB6] =	sst s0;
	s0 =	simm.s32 @!p1 $0x0  }
0x14: {  	s2 =	sld [smem:$0x3F9A];
	s0 =	simm.s32 @p1 $0x1  }
0x15: {  	[smem:$0x3FB7] =	sst s0;
	s0 =	simm.s32 @!p2 $0x0  }
0x16: {  	s3 =	sld [smem:$0x3FDB];
	s0 =	simm.s32 @p2 $0x1  }
0x17: {  	s4 =	simm.s32 $0x1BF5;
	[smem:$0x3FB9] =	sst s0  }
0x18: {  	s0 =	sld [smem:$0x3F9C];
	_ =	swait.ge [sflag:s4], $0x0  }
0x19: {  	s7 =	sld [smem:$0x3F9D]  }
0x1a: {  	s8 =	sadd.s32 $0xFFFFE003, lr  }
0x1b: {  	s9 =	sadd.s32 $0xFFFFFEF7, lr;
	s5 =	simm.s32 $0xFFFFFFFF;
	p2 =	slt.u32 s8, $0xFFFFF086  }
0x1c: {  	p1 =	slt.u32 s9, $0xF7A;
	s5 =	simm.s32 @!p2 $0x0  }
0x1d: {  	s5 =	simm.s32 @p1 $0x1;
	p0 =	seq.s32 s7, s2  }
0x1e: {  	s7 =	smul.u32 @!p0 $0xF7A, s2;
	p2 =	seq.s32 @!p0 s5, $0x0  }
0x1f: {  	s9 =	smul.u32 $0xF7A, s1;
	s8 =	simm.s32 @!p0 $0x1BF5;
	p2 =	por !p2, p0  }
0x20: {  	[sflag:s8] =	ssyncset.s32 @!p0 $0xFFFFF086;
	s6 =	sadd.s32 @!p0 s3, s7;
	s7 =	simm.s32 @!p0 $0x108  }
0x21: {  	s3 =	sadd.s32 s3, s9;
	s6 =	sadd.s32 @!p0 $0x88, s6;
	s7 =	simm.s32 @p2 $0x1082  }
0x22: {  	[simem:s7], [sflag:s8] =	dma.local @!p0 [hbm:s6], $0xF7A  }
0x23: {  	s9 =	sor.u32 $0xD0000000, s2;
	s6 =	simm.s32 $0x108;
	_ =	swait.ge @!p0 [sflag:s8], $0x0  }
0x24: {  	s3 =	sadd.s32 $0x88, s3;
	s6 =	simm.s32 @!p1 $0x1082;
	[sflag:s4] =	ssyncset.s32 $0xFFFFF086  }
0x25: {  	[simem:s6], [sflag:s4] =	dma.local [hbm:s3], $0xF7A  }
0x26: {  	[smem:$0x3F9D] =	sst s1;
	(tag) =	ssettag s2;
	_ =	strace s9  }
0x27: {  	s1 =	sld [smem:$0x3FAD]  }
0x28: {  	s2 =	sld [smem:$0x3FAE]  }
0x29: {  	s4 =	sld [smem:$0x3FB0]  }
0x2a: {  	p0 =	seq.s32 s5, $0x0;
	s5 =	sld [smem:$0x3FB1]  }
0x2b: {  	s6 =	sld [smem:$0x3FB2]  }
0x2c: {  	s7 =	sld [smem:$0x3FB3]  }
0x2d: {  	s3 =	simm.s32 $0x108;
	s8 =	sld [smem:$0x3FB4]  }
0x2e: {  	s3 =	simm.s32 @!p0 $0x1082;
	s9 =	sld [smem:$0x3FB5]  }
0x2f: {  	lr =	sadd.s32 s0, s3;
	s0 =	sld [smem:$0x3FAC]  }
0x30: {  	s3 =	sld [smem:$0x3FAF]  }
0x31: {  	[smem:$0x3FB8] =	sst s10  }
0x32: {  	s10 =	sld [smem:$0x3FB6];
	_ =	sdelay $0x3  }
0x33: {  	p0 =	seq.s32 s10, $0x1;
	s10 =	sld [smem:$0x3FB8];
	_ =	sdelay $0x3  }
0x34: {  	[smem:$0x3FB8] =	sst s10  }
0x35: {  	s10 =	sld [smem:$0x3FB7];
	_ =	sdelay $0x3  }
0x36: {  	p1 =	seq.s32 s10, $0x1;
	s10 =	sld [smem:$0x3FB8];
	_ =	sdelay $0x3  }
0x37: {  	[smem:$0x3FB8] =	sst s10  }
0x38: {  	s10 =	sld [smem:$0x3FB9]  }
0x39: {  	_ = 	snop;
	(pc) =	sbr.ind lr, $3  }
0x3a: {  	_ = 	snop  }
0x3b: {  	_ = 	snop  }
0x3c: {  	p2 =	seq.s32 s10, $0x1;
	s10 =	sld [smem:$0x3FB8]  }
0x3d: {  	_ =	shalt  }
0x3e: {  	_ =	shalt  }
0x3f: {  	_ =	shalt  }
0x40: {  	_ =	shalt  }
0x41: {  	_ =	shalt  }
0x42: {  	_ =	shalt  }
0x43: {  	_ =	shalt  }
0x44: {  	_ =	shalt  }
0x45: {  	_ =	shalt  }
0x46: {  	_ =	shalt  }
0x47: {  	_ =	shalt  }
0x48: {  	_ =	shalt  }
0x49: {  	_ =	shalt  }
0x4a: {  	_ =	shalt  }
0x4b: {  	_ =	shalt  }
0x4c: {  	_ =	shalt  }
0x4d: {  	_ =	shalt  }
0x4e: {  	_ =	shalt  }
0x4f: {  	_ =	shalt  }
0x50: {  	_ =	shalt  }
0x51: {  	_ =	shalt  }
0x52: {  	_ =	shalt  }
0x53: {  	_ =	shalt  }
0x54: {  	_ =	shalt  }
0x55: {  	_ =	shalt  }
0x56: {  	_ =	shalt  }
0x57: {  	_ =	shalt  }
0x58: {  	_ =	shalt  }
0x59: {  	_ =	shalt  }
0x5a: {  	_ =	shalt  }
0x5b: {  	_ =	shalt  }
0x5c: {  	_ =	shalt  }
0x5d: {  	_ =	shalt  }
0x5e: {  	_ =	shalt  }
0x5f: {  	_ =	shalt  }
0x60: {  	_ =	shalt  }
0x61: {  	_ =	shalt  }
0x62: {  	_ =	shalt  }
0x63: {  	_ =	shalt  }
0x64: {  	_ =	shalt  }
0x65: {  	_ =	shalt  }
0x66: {  	_ =	shalt  }
0x67: {  	_ =	shalt  }
0x68: {  	_ =	shalt  }
0x69: {  	_ =	shalt  }
0x6a: {  	_ =	shalt  }
0x6b: {  	_ =	shalt  }
0x6c: {  	_ =	shalt  }
0x6d: {  	_ =	shalt  }
0x6e: {  	_ =	shalt  }
0x6f: {  	_ =	shalt  }
0x70: {  	_ =	shalt  }
0x71: {  	_ =	shalt  }
0x72: {  	_ =	shalt  }
0x73: {  	_ =	shalt  }
0x74: {  	_ =	shalt  }
0x75: {  	_ =	shalt  }
0x76: {  	_ =	shalt  }
0x77: {  	_ =	shalt  }
0x78: {  	_ =	shalt  }
0x79: {  	_ =	shalt  }
0x7a: {  	_ =	shalt  }
0x7b: {  	_ =	shalt  }
0x7c: {  	_ =	shalt  }
0x7d: {  	_ =	shalt  }
0x7e: {  	_ =	shalt  }
0x7f: {  	_ =	shalt  }
0x80: {  	_ =	shalt  }
0x81: {  	_ =	shalt  }
0x82: {  	_ =	shalt  }
0x83: {  	_ =	shalt  }
0x84: {  	_ =	shalt  }
0x85: {  	_ =	shalt  }
0x86: {  	_ =	shalt  }
0x87: {  	_ =	shalt  }
.Lfunc_end0:
.L_simem_size_0:
called_computation.1_lowered:
.L_overlay_start_0:
0x88: {  	s2 =	sld [smem:$0x3FD9]  }
0x89: {  	s3 =	sld [smem:$0x3FFE];
	_ =	sdelay $0x1  }
0x8a: {  	s1 =	srdreg.scid  }
0x8b: {  	s0 =	sand.u32 $0x1, s1  }
0x8c: {  	s17 =	sshll.u32 s0, $0xA;
	s2 =	sadd.s32 s3, s2  }
0x8d: {  	s2 =	sadd.s32 s2, s17  }
0x8e: {  	[smem:$0x3FC4] =	sst s2  }
0x8f: {  	_ = 	snop  }
0x90: {  	s2 =	sld [smem:$0x3FD0];
	(tm) =	ssettm $0x1  }
0x91: {  	s18 =	sld [smem:$0x3FFB];
	_ =	sdelay $0x3  }
0x92: {  	_ =	strace s18  }
0x93: {  	s3 =	sld [smem:$0x3FFC];
	_ =	sdelay $0x3  }
0x94: {  	_ =	strace s3  }
0x95: {  	s3 =	sld [smem:$0x3FFD];
	_ =	sdelay $0x3  }
0x96: {  	_ =	strace s3  }
0x97: {  	_ =	strace $0x8FFFFFFF  }
0x98: {  	s19 =	sld [smem:$0x3FDB];
	_ =	sdelay $0x1  }
0x99: {  	s4 =	simm.s32 $_scs_section_size  }
0x9a: {  	s5 =	simm.s32 $_size__tile_overlayer_lowered;
	s6 =	simm.s32 $_tile_overlayer_lowered  }
0x9b: {  	s22 =	simm.s32 $0x1BFF;
	s21 =	sshll.u32 s6, $0x1;
	s3 =	sadd.s32 s4, s19  }
0x9c: {  	s7 =	simm.s32 $0x0;
	s20 =	sshll.u32 s5, $0x1;
	s5 =	sadd.s32 s21, s3  }
0x9d: {  	[timem:s7], [sflag:s22] =	dma.local [hbm:s5], s20  }
0x9e: {  	_ =	swait.ge [sflag:s22], s20  }
0x9f: {  	s4 =	ssub.s32 $0x0, s20;
	[sflag:s22] =	ssyncset.done $0x0  }
0xa0: {  	[sflag:s22] =	ssyncadd.s32 s4;
	_ =	sdelay $0x1  }
0xa1: {  	s23 =	simm.s32 $0x1B8B  }
0xa2: {  	_ =	swait.ge [sflag:s23], $0x1  }
0xa3: {  	[sflag:s23] =	ssyncset.done $0x0  }
0xa4: {  	s25 =	simm.s32 $0x1B8E;
	s24 =	sld [smem:$0x3FFE];
	[sflag:s23] =	ssyncadd.s32 $0xFFFFFFFF  }
0xa5: {  	s26 =	simm.s32 $execute0_lowered;
	[smem:$0x3FD2] =	sst s25  }
0xa6: {  	s5 =	sshll.u32 s26, $0x1;
	_ =	strace $0x80000049;
	[dreg:$0x1] =	wrdreg $0xFFFFFFFF  }
0xa7: {  	s28 =	simm.s32 $_size_execute0_lowered;
	s3 =	sadd.s32 s3, s5;
	[dreg:$0x0] =	wrdreg $0x0  }
0xa8: {  	s5 =	sshll.u32 s28, $0x1;
	[dreg:$0x2] =	wrdreg s3  }
0xa9: {  	[dreg:$0x3] =	wrdreg s5  }
0xaa: {  	[dreg:$0x4] =	wrdreg $0xC0  }
0xab: {  	_ =	task [dreg:s7], $0x5FFFF  }
0xac: {  	[dreg:$0x1] =	wrdreg $0xFFFFFFFF  }
0xad: {  	[dreg:$0x0] =	wrdreg $0x60  }
0xae: {  	[dreg:$0x2] =	wrdreg s24  }
0xaf: {  	[dreg:$0x3] =	wrdreg s2  }
0xb0: {  	[dreg:$0x4] =	wrdreg $0x0  }
0xb1: {  	[dreg:$0x5] =	wrdreg $0x9  }
0xb2: {  	_ =	task.clear_ibuf [dreg:s7], $0x6FFFF;
	_ =	strace $0x90000049  }
0xb3: {  	s29 =	simm.s32 $0x9;
	_ =	strace $0x8000004B  }
0xb4: {  	_ =	swait.ge [sflag:s29], $0x1  }
0xb5: {  	[sflag:s29] =	ssyncadd.s32 $0xFFFFFFFF  }
0xb6: {  	_ =	strace $0x9000004B  }
0xb7: {  	_ =	sfence  }
0xb8: {  	s30 =	sld [smem:$0x0];
	_ =	sdelay $0x2  }
0xb9: {  	s31 =	sshll.u32 s1, $0xD;
	s1 =	sshrl.u32 s1, $0x2  }
0xba: {  	s3 =	sand.u32 $0x4000, s31;
	s1 =	sadd.s32 s1, s30  }
0xbb: {  	s0 =	sor.u32 s3, s0;
	s1 =	sshll.u32 s1, $0x11  }
0xbc: {  	s0 =	sor.u32 s1, s0  }
0xbd: {  	s0 =	sadd.s32 $0x8F2B, s0  }
0xbe: {  	[sflag:s0] =	ssyncadd.remote.s32 $0x1  }
0xbf: {  	_ =	sfence.sel $0xFFFF  }
0xc0: {  	[dreg:$0x0] =	wrdreg $0xFFFFFFFF;
	(pc) =	sbr.abs _section_cstart, $3  }
0xc1: {  	[dreg:$0x1] =	wrdreg $0xFFFFFFFF  }
0xc2: {  	_ =	task.clear_ibuf [dreg:s7], $0x2FFFF;
	_ =	strace $0x9FFFFFFF  }
0xc3: {  	(tm) =	ssettm $0x7FFFFFFF  }
tec
execute0_lowered:
.L_overlay_start_1:
0x0: {  	(tag) =	ssettag $0x1  }
0x1: {  	s5 =	rddreg [dreg:$0x0]  }
0x2: {  	s9 =	rddreg [dreg:$0x1];
	s0 =	srdreg.scid  }
0x3: {  	s2 =	rddreg [dreg:$0x2];
	s1 =	stileid.u32  }
0x4: {  	s3 =	simm.s32 $0x0;
	s17 =	simm.s32 $0x15400;
	s18 =	simm.s32 $0x3  }
0x5: {  	s19 =	simm.s32 $0x80;
	s20 =	simm.s32 $0x16800;
	s21 =	simm.s32 $0x14080  }
0x6: {  	s22 =	simm.s32 $0x1A800;
	s23 =	simm.s32 $0x4;
	s24 =	simm.s32 $0x16700  }
0x7: {  	s6 =	sand.u32 $0x1, s0;
	s0 =	rddreg [dreg:$0x3];
	s8 =	smul.u32 $0x280, s1  }
0x8: {  	[smem:$0x7FF] =	sst s3;
	s4 =	sadd.s32 $0x6800, s5;
	s11 =	smul.u32 $0x50000, s1  }
0x9: {  	s10 =	sadd.s32 $0x1800, s5;
	s29 =	sshll.u32 s1, $0x6;
	s30 =	smul.u32 $0x2800, s1  }
0xa: {  	s7 =	smul.u32 $0x2800, s6;
	s25 =	sshll.u32 s6, $0x4;
	s6 =	ssub.s32 $0x2, s6  }
0xb: {  	s16 =	smul.u32 $0x500, s1;
	_ =	strace $0x8000004A;
	s26 =	sshrl.u32 s6, $0x1  }
0xc: {  	s28 =	sshrl.u32 s11, $0x2;
	s11 =	sshrl.u32 s30, $0x3;
	s7 =	sadd.s32 s8, s7  }
0xd: {  	s8 =	sor.u32 s1, s25;
	s14 =	ssub.s32 s6, s26;
	s15 =	sadd.s32 s28, s2  }
0xe: {  	s6 =	sor.u32 $0x1C01, s29;
	s25 =	simm.s32 $0x16780;
	s13 =	smul.u32 $0x500, s8  }
0xf: {  	s26 =	simm.s32 $0x0;
	s7 =	sshll.u32 s7, $0x4;
	s8 =	smul.u32 $0x2800, s8  }
0x10: {  	s12 =	sadd.s32 s7, s5;
	s5 =	sadd.s32 s4, s7;
	s7 =	sadd.s32 s9, s13  }
0x11: {  	s31 =	sshrl.u32 s8, $0x3;
	s8 =	sadd.s32 s10, s16;
	s10 =	sadd.s32 s10, s11  }
0x12: {  	s11 =	sadd.s32 $0x56800, s12;
	s12 =	smax.u32 s14, $0x1;
	s13 =	sshrl.u32 s15, $0x3  }
0x13: {  	s14 =	simm.s32 $0x1;
	s15 =	simm.s32 $0x14000;
	s9 =	sadd.s32 s9, s31  }
0x14: {  	s16 =	simm.s32 $0x2;
	s10 =	sadd.s32 $0x280, s10;
	s9 =	sadd.s32 $0x280, s9  }
.LBB2_1:
0x15: {  	[spmem:s13], [sflag:s6] =	dma.local [hbm:s5], $0x2800  }
0x16: {  	_ =	swait.ge [sflag:s14], $0x2800  }
0x17: {  	[sflag:s14] =	ssyncset.done $0x0  }
0x18: {  	[sflag:s14] =	ssyncadd.s32 $0xFFFFD800  }
0x19: {  	[bflag:$0x0] =	sbarrier.arrive $0xFFFF  }
0x1a: {  	[tilespmem:s15], [sflag:$0x2] =	stream.linear.gather [hbm4b:s7+s3], $0x1400, $0x38;
	[tilespmem:$0x1E800] =	vst v63  }
0x1b: {  	_ =	swait.ge [sflag:s16], $0x1400  }
0x1c: {  	[sflag:s16] =	ssyncset.done $0x0  }
0x1d: {  	[sflag:s16] =	ssyncadd.s32 $0xFFFFEC00  }
0x1e: {  	[tilespmem:s17], [sflag:$0x3] =	stream.linear.gather [hbm4b:s8+s3], $0x1400, $0x38;
	[tilespmem:$0x1E800] =	vst v63  }
0x1f: {  	_ =	swait.ge [sflag:s18], $0x1400  }
0x20: {  	[sflag:s18] =	ssyncset.done $0x0  }
0x21: {  	[sflag:s18] =	ssyncadd.s32 $0xFFFFEC00  }
0x22: {  	[tilespmem:s20], [sflag:$0x2] =	stream.indirect.gather [hbm4b:s4+s19], $0x80, s15, s19, $0xb8;
	[tilespmem:$0x1E800] =	vst v63  }
0x23: {  	_ = 	snop  }
0x24: {  	[tilespmem:s22], [sflag:$0x3] =	stream.indirect.gather [hbm4b:s4+s19], $0x80, s21, s19, $0xb8;
	[tilespmem:$0x1E800] =	vst v63  }
0x25: {  	_ =	swait.ge [sflag:s16], $0x4000  }
0x26: {  	[sflag:s16] =	ssyncset.done $0x0  }
0x27: {  	s28 =	simm.s32 $0x15400;
	[sflag:s16] =	ssyncadd.s32 $0xFFFFC000  }
0x28: {  	[spmem:s2] =	stream.indirect.scatter.add.f32 [tilespmem:s20], [sflag:$0x4], $0x80, s28, s19, $0xb8;
	[tilespmem:$0x1E800] =	vst v63  }
0x29: {  	_ =	swait.ge [sflag:s23], $0x4000  }
0x2a: {  	[sflag:s23] =	ssyncset.done $0x0  }
0x2b: {  	s28 =	simm.s32 $0x14100;
	[sflag:s23] =	ssyncadd.s32 $0xFFFFC000  }
0x2c: {  	[tilespmem:s20], [sflag:$0x2] =	stream.indirect.gather [hbm4b:s4+s19], $0x80, s28, s19, $0xb8;
	[tilespmem:$0x1E800] =	vst v63  }
0x2d: {  	_ =	swait.ge [sflag:s18], $0x4000  }
0x2e: {  	[sflag:s18] =	ssyncset.done $0x0  }
0x2f: {  	s28 =	simm.s32 $0x15480;
	[sflag:s18] =	ssyncadd.s32 $0xFFFFC000  }
0x30: {  	[spmem:s2] =	stream.indirect.scatter.add.f32 [tilespmem:s22], [sflag:$0x4], $0x80, s28, s19, $0xb8;
	[tilespmem:$0x1E800] =	vst v63  }
0x31: {  	_ =	swait.ge [sflag:s23], $0x4000  }
0x32: {  	[sflag:s23] =	ssyncset.done $0x0  }
0x33: {  	s29 =	simm.s32 $0x14180;
	s28 =	simm.s32 $0x400;
	[sflag:s23] =	ssyncadd.s32 $0xFFFFC000  }
.LBB2_2:
0x34: {  	[tilespmem:s22], [sflag:$0x3] =	stream.indirect.gather [hbm4b:s4+s19], $0x80, s29, s19, $0xb8;
	[tilespmem:$0x1E800] =	vst v63  }
0x35: {  	s29 =	smov.u32 s28  }
0x36: {  	p0 =	sne.s32 s28, $0x4800;
	s28 =	sadd.s32 $0x400, s28;
	_ =	swait.ge [sflag:s16], $0x4000  }
0x37: {  	s29 =	sshra.s32 s29, $0x2;
	[sflag:s16] =	ssyncset.done $0x0  }
0x38: {  	s30 =	sadd.s32 $0x15400, s29;
	[sflag:s16] =	ssyncadd.s32 $0xFFFFC000  }
0x39: {  	[spmem:s2] =	stream.indirect.scatter.add.f32 [tilespmem:s20], [sflag:$0x4], $0x80, s30, s19, $0xb8;
	[tilespmem:$0x1E800] =	vst v63  }
0x3a: {  	_ =	swait.ge [sflag:s23], $0x4000  }
0x3b: {  	[sflag:s23] =	ssyncset.done $0x0  }
0x3c: {  	s30 =	sadd.s32 $0x14100, s29;
	[sflag:s23] =	ssyncadd.s32 $0xFFFFC000  }
0x3d: {  	[tilespmem:s20], [sflag:$0x2] =	stream.indirect.gather [hbm4b:s4+s19], $0x80, s30, s19, $0xb8;
	[tilespmem:$0x1E800] =	vst v63  }
0x3e: {  	_ =	swait.ge [sflag:s18], $0x4000  }
0x3f: {  	[sflag:s18] =	ssyncset.done $0x0  }
.Ltmp0:
0x40: {  	s30 =	sadd.s32 $0x15480, s29;
	[sflag:s18] =	ssyncadd.s32 $0xFFFFC000;
	(pc) =	sbr.rel @p0 .LBB2_2-.Ltmp0, $4  }
0x41: {  	[spmem:s2] =	stream.indirect.scatter.add.f32 [tilespmem:s22], [sflag:$0x4], $0x80, s30, s19, $0xb8;
	[tilespmem:$0x1E800] =	vst v63  }
0x42: {  	_ =	swait.ge [sflag:s23], $0x4000  }
0x43: {  	[sflag:s23] =	ssyncset.done $0x0  }
0x44: {  	s29 =	sadd.s32 $0x14180, s29;
	[sflag:s23] =	ssyncadd.s32 $0xFFFFC000  }
0x45: {  	[tilespmem:s22], [sflag:$0x3] =	stream.indirect.gather [hbm4b:s4+s19], $0x80, s29, s19, $0xb8;
	[tilespmem:$0x1E800] =	vst v63  }
0x46: {  	_ =	swait.ge [sflag:s16], $0x4000  }
0x47: {  	[sflag:s16] =	ssyncset.done $0x0  }
0x48: {  	[sflag:s16] =	ssyncadd.s32 $0xFFFFC000  }
0x49: {  	[spmem:s2] =	stream.indirect.scatter.add.f32 [tilespmem:s20], [sflag:$0x4], $0x80, s24, s19, $0xb8;
	[tilespmem:$0x1E800] =	vst v63  }
0x4a: {  	_ =	swait.ge [sflag:s23], $0x4000  }
0x4b: {  	[sflag:s23] =	ssyncset.done $0x0  }
0x4c: {  	[sflag:s23] =	ssyncadd.s32 $0xFFFFC000  }
0x4d: {  	_ =	swait.ge [sflag:s18], $0x4000  }
0x4e: {  	[sflag:s18] =	ssyncset.done $0x0  }
0x4f: {  	[sflag:s18] =	ssyncadd.s32 $0xFFFFC000  }
0x50: {  	[spmem:s2] =	stream.indirect.scatter.add.f32 [tilespmem:s22], [sflag:$0x4], $0x80, s25, s19, $0xb8;
	[tilespmem:$0x1E800] =	vst v63  }
0x51: {  	_ =	swait.ge [sflag:s23], $0x4000  }
0x52: {  	[sflag:s23] =	ssyncset.done $0x0  }
0x53: {  	s28 =	simm.s32 $0x0;
	[sflag:s23] =	ssyncadd.s32 $0xFFFFC000  }
0x54: {  	[tilespmem:s15], [sflag:$0x2] =	stream.linear.gather [hbm4b:s9+s28], $0x1400, $0x38;
	[tilespmem:$0x1E800] =	vst v63  }
0x55: {  	_ =	swait.ge [sflag:s16], $0x1400  }
0x56: {  	[sflag:s16] =	ssyncset.done $0x0  }
0x57: {  	[sflag:s16] =	ssyncadd.s32 $0xFFFFEC00  }
0x58: {  	[tilespmem:s17], [sflag:$0x3] =	stream.linear.gather [hbm4b:s10+s28], $0x1400, $0x38;
	[tilespmem:$0x1E800] =	vst v63  }
0x59: {  	_ =	swait.ge [sflag:s18], $0x1400  }
0x5a: {  	[sflag:s18] =	ssyncset.done $0x0  }
0x5b: {  	[sflag:s18] =	ssyncadd.s32 $0xFFFFEC00  }
0x5c: {  	[tilespmem:s20], [sflag:$0x2] =	stream.indirect.gather [hbm4b:s4+s19], $0x80, s15, s19, $0xb8;
	[tilespmem:$0x1E800] =	vst v63  }
0x5d: {  	_ = 	snop  }
0x5e: {  	[tilespmem:s22], [sflag:$0x3] =	stream.indirect.gather [hbm4b:s4+s19], $0x80, s21, s19, $0xb8;
	[tilespmem:$0x1E800] =	vst v63  }
0x5f: {  	_ =	swait.ge [sflag:s16], $0x4000  }
0x60: {  	[sflag:s16] =	ssyncset.done $0x0  }
0x61: {  	s28 =	simm.s32 $0x15400;
	[sflag:s16] =	ssyncadd.s32 $0xFFFFC000  }
0x62: {  	[spmem:s2] =	stream.indirect.scatter.add.f32 [tilespmem:s20], [sflag:$0x4], $0x80, s28, s19, $0xb8;
	[tilespmem:$0x1E800] =	vst v63  }
0x63: {  	_ =	swait.ge [sflag:s23], $0x4000  }
0x64: {  	[sflag:s23] =	ssyncset.done $0x0  }
0x65: {  	s28 =	simm.s32 $0x14100;
	[sflag:s23] =	ssyncadd.s32 $0xFFFFC000  }
0x66: {  	[tilespmem:s20], [sflag:$0x2] =	stream.indirect.gather [hbm4b:s4+s19], $0x80, s28, s19, $0xb8;
	[tilespmem:$0x1E800] =	vst v63  }
0x67: {  	_ =	swait.ge [sflag:s18], $0x4000  }
0x68: {  	[sflag:s18] =	ssyncset.done $0x0  }
0x69: {  	s28 =	simm.s32 $0x15480;
	[sflag:s18] =	ssyncadd.s32 $0xFFFFC000  }
0x6a: {  	[spmem:s2] =	stream.indirect.scatter.add.f32 [tilespmem:s22], [sflag:$0x4], $0x80, s28, s19, $0xb8;
	[tilespmem:$0x1E800] =	vst v63  }
0x6b: {  	_ =	swait.ge [sflag:s23], $0x4000  }
0x6c: {  	[sflag:s23] =	ssyncset.done $0x0  }
0x6d: {  	s29 =	simm.s32 $0x14180;
	s28 =	simm.s32 $0x400;
	[sflag:s23] =	ssyncadd.s32 $0xFFFFC000  }
.LBB2_4:
0x6e: {  	[tilespmem:s22], [sflag:$0x3] =	stream.indirect.gather [hbm4b:s4+s19], $0x80, s29, s19, $0xb8;
	[tilespmem:$0x1E800] =	vst v63  }
0x6f: {  	s29 =	smov.u32 s28  }
0x70: {  	p0 =	sne.s32 s28, $0x4800;
	s28 =	sadd.s32 $0x400, s28;
	_ =	swait.ge [sflag:s16], $0x4000  }
0x71: {  	s29 =	sshra.s32 s29, $0x2;
	[sflag:s16] =	ssyncset.done $0x0  }
0x72: {  	s30 =	sadd.s32 $0x15400, s29;
	[sflag:s16] =	ssyncadd.s32 $0xFFFFC000  }
0x73: {  	[spmem:s2] =	stream.indirect.scatter.add.f32 [tilespmem:s20], [sflag:$0x4], $0x80, s30, s19, $0xb8;
	[tilespmem:$0x1E800] =	vst v63  }
0x74: {  	_ =	swait.ge [sflag:s23], $0x4000  }
0x75: {  	[sflag:s23] =	ssyncset.done $0x0  }
0x76: {  	s30 =	sadd.s32 $0x14100, s29;
	[sflag:s23] =	ssyncadd.s32 $0xFFFFC000  }
0x77: {  	[tilespmem:s20], [sflag:$0x2] =	stream.indirect.gather [hbm4b:s4+s19], $0x80, s30, s19, $0xb8;
	[tilespmem:$0x1E800] =	vst v63  }
0x78: {  	_ =	swait.ge [sflag:s18], $0x4000  }
0x79: {  	[sflag:s18] =	ssyncset.done $0x0  }
.Ltmp1:
0x7a: {  	s30 =	sadd.s32 $0x15480, s29;
	[sflag:s18] =	ssyncadd.s32 $0xFFFFC000;
	(pc) =	sbr.rel @p0 .LBB2_4-.Ltmp1, $4  }
0x7b: {  	[spmem:s2] =	stream.indirect.scatter.add.f32 [tilespmem:s22], [sflag:$0x4], $0x80, s30, s19, $0xb8;
	[tilespmem:$0x1E800] =	vst v63  }
0x7c: {  	_ =	swait.ge [sflag:s23], $0x4000  }
0x7d: {  	[sflag:s23] =	ssyncset.done $0x0  }
0x7e: {  	s29 =	sadd.s32 $0x14180, s29;
	[sflag:s23] =	ssyncadd.s32 $0xFFFFC000  }
0x7f: {  	[tilespmem:s22], [sflag:$0x3] =	stream.indirect.gather [hbm4b:s4+s19], $0x80, s29, s19, $0xb8;
	[tilespmem:$0x1E800] =	vst v63  }
0x80: {  	_ =	swait.ge [sflag:s16], $0x4000  }
0x81: {  	[sflag:s16] =	ssyncset.done $0x0  }
0x82: {  	[sflag:s16] =	ssyncadd.s32 $0xFFFFC000  }
0x83: {  	[spmem:s2] =	stream.indirect.scatter.add.f32 [tilespmem:s20], [sflag:$0x4], $0x80, s24, s19, $0xb8;
	[tilespmem:$0x1E800] =	vst v63  }
0x84: {  	_ =	swait.ge [sflag:s23], $0x4000  }
0x85: {  	[sflag:s23] =	ssyncset.done $0x0  }
0x86: {  	[sflag:s23] =	ssyncadd.s32 $0xFFFFC000  }
0x87: {  	_ =	swait.ge [sflag:s18], $0x4000  }
0x88: {  	[sflag:s18] =	ssyncset.done $0x0  }
0x89: {  	[sflag:s18] =	ssyncadd.s32 $0xFFFFC000  }
0x8a: {  	[spmem:s2] =	stream.indirect.scatter.add.f32 [tilespmem:s22], [sflag:$0x4], $0x80, s25, s19, $0xb8;
	[tilespmem:$0x1E800] =	vst v63  }
0x8b: {  	_ =	swait.ge [sflag:s23], $0x4000  }
0x8c: {  	s26 =	sadd.s32 $0x1, s26;
	[sflag:s23] =	ssyncset.done $0x0  }
0x8d: {  	p0 =	sne.s32 s26, s12;
	[sflag:s23] =	ssyncadd.s32 $0xFFFFC000  }
.Ltmp2:
0x8e: {  	[bflag:$0x0] =	sbarrier.arrive $0xFFFF;
	(pc) =	sbr.rel @p0 .LBB2_1-.Ltmp2, $4  }
0x8f: {  	[hbm:s11], [sflag:s6] =	dma.local [spmem:s13], $0x2800  }
0x90: {  	_ =	swait.ge [sflag:s14], $0x2800  }
0x91: {  	[sflag:s14] =	ssyncset.done $0x0  }
0x92: {  	[sflag:s14] =	ssyncadd.s32 $0xFFFFD800  }
0x93: {  	_ =	sfence.sel $0x180000  }
0x94: {  	[bflag:$0x0] =	sbarrier.arrive $0xFFFF  }
0x95: {  	p0 =	sne.s32 s1, $0x0;
	_ =	strace $0x9000004A  }
0x96: {  	s0 =	sadd.s32 @!p0 $0x100000, s0;
	[bflag:$0x2] =	sbarrier.arrive $0xFFFF  }
0x97: {  	[sflag:s0] =	ssyncadd.tile.s32 @!p0 $0x1;
	_ =	shalt  }
.Lfunc_end2:
_tile_overlayer_lowered:
.L_overlay_start_2:
0x98: {  	(tag) =	ssettag $0x2  }
0x99: {  	s0 =	rddreg [dreg:$0x0];
	s2 =	stileid.u32  }
0x9a: {  	s1 =	rddreg [dreg:$0x1];
	p0 =	sne.s32 s2, $0x0  }
0x9b: {  	s3 =	rddreg [dreg:$0x2];
	[bflag:$0x3] =	sbarrier.arrive $0xFFFF;
	s2 =	simm.s32 @!p0 $0x1C04  }
0x9c: {  	[timem:s3], [sflag:s2] =	dma.local @!p0 [hbm:s0], s1  }
0x9d: {  	s0 =	simm.s32 @!p0 $0x4  }
0x9e: {  	_ =	swait.ge @!p0 [sflag:s0], s1  }
0x9f: {  	s1 =	ssub.s32 @!p0 $0x0, s1;
	[sflag:s0] =	ssyncset.done @!p0 $0x0  }
0xa0: {  	[sflag:s0] =	ssyncadd.s32 @!p0 s1  }
0xa1: {  	[bflag:$0x3] =	sbarrier.arrive $0xFFFF  }
0xa2: {  	_ =	shalt  }

// kernel: gcn_deg_sc.3.cloned.1.call-start
scs
__scs_entry_jumppad:
0x0: {  	(pc) =	sbr.rel $0x88, $3  }
0x1: {  	(tag) =	ssettag $0x0;
	lr =	simm.s32 $0x1  }
0x2: {  	[smem:$0x3F9D] =	sst lr;
	_ =	strace $0xD0000000  }
0x3: {  	_ = 	snop  }
0x4: {  	_ = 	snop  }
0x5: {  	_ = 	snop  }
0x6: {  	_ = 	snop  }
0x7: {  	_ = 	snop  }
__scs_overlays_trampoline_lowered:
0x8: {  	[smem:$0x3FAC] =	sst s0  }
0x9: {  	[smem:$0x3FAD] =	sst s1  }
0xa: {  	[smem:$0x3FAE] =	sst s2  }
0xb: {  	[smem:$0x3FAF] =	sst s3  }
0xc: {  	[smem:$0x3FB0] =	sst s4  }
0xd: {  	[smem:$0x3FB1] =	sst s5  }
0xe: {  	[smem:$0x3FB2] =	sst s6  }
0xf: {  	[smem:$0x3FB3] =	sst s7  }
0x10: {  	[smem:$0x3FB4] =	sst s8  }
0x11: {  	[smem:$0x3FB5] =	sst s9;
	s0 =	simm.s32 @!p0 $0x0  }
0x12: {  	s1 =	sld [smem:$0x3F9B];
	s0 =	simm.s32 @p0 $0x1  }
0x13: {  	[smem:$0x3FB6] =	sst s0;
	s0 =	simm.s32 @!p1 $0x0  }
0x14: {  	s2 =	sld [smem:$0x3F9A];
	s0 =	simm.s32 @p1 $0x1  }
0x15: {  	[smem:$0x3FB7] =	sst s0;
	s0 =	simm.s32 @!p2 $0x0  }
0x16: {  	s3 =	sld [smem:$0x3FDB];
	s0 =	simm.s32 @p2 $0x1  }
0x17: {  	s4 =	simm.s32 $0x1BF5;
	[smem:$0x3FB9] =	sst s0  }
0x18: {  	s0 =	sld [smem:$0x3F9C];
	_ =	swait.ge [sflag:s4], $0x0  }
0x19: {  	s7 =	sld [smem:$0x3F9D]  }
0x1a: {  	s8 =	sadd.s32 $0xFFFFE003, lr  }
0x1b: {  	s9 =	sadd.s32 $0xFFFFFEF7, lr;
	s5 =	simm.s32 $0xFFFFFFFF;
	p2 =	slt.u32 s8, $0xFFFFF086  }
0x1c: {  	p1 =	slt.u32 s9, $0xF7A;
	s5 =	simm.s32 @!p2 $0x0  }
0x1d: {  	s5 =	simm.s32 @p1 $0x1;
	p0 =	seq.s32 s7, s2  }
0x1e: {  	s7 =	smul.u32 @!p0 $0xF7A, s2;
	p2 =	seq.s32 @!p0 s5, $0x0  }
0x1f: {  	s9 =	smul.u32 $0xF7A, s1;
	s8 =	simm.s32 @!p0 $0x1BF5;
	p2 =	por !p2, p0  }
0x20: {  	[sflag:s8] =	ssyncset.s32 @!p0 $0xFFFFF086;
	s6 =	sadd.s32 @!p0 s3, s7;
	s7 =	simm.s32 @!p0 $0x108  }
0x21: {  	s3 =	sadd.s32 s3, s9;
	s6 =	sadd.s32 @!p0 $0x88, s6;
	s7 =	simm.s32 @p2 $0x1082  }
0x22: {  	[simem:s7], [sflag:s8] =	dma.local @!p0 [hbm:s6], $0xF7A  }
0x23: {  	s9 =	sor.u32 $0xD0000000, s2;
	s6 =	simm.s32 $0x108;
	_ =	swait.ge @!p0 [sflag:s8], $0x0  }
0x24: {  	s3 =	sadd.s32 $0x88, s3;
	s6 =	simm.s32 @!p1 $0x1082;
	[sflag:s4] =	ssyncset.s32 $0xFFFFF086  }
0x25: {  	[simem:s6], [sflag:s4] =	dma.local [hbm:s3], $0xF7A  }
0x26: {  	[smem:$0x3F9D] =	sst s1;
	(tag) =	ssettag s2;
	_ =	strace s9  }
0x27: {  	s1 =	sld [smem:$0x3FAD]  }
0x28: {  	s2 =	sld [smem:$0x3FAE]  }
0x29: {  	s4 =	sld [smem:$0x3FB0]  }
0x2a: {  	p0 =	seq.s32 s5, $0x0;
	s5 =	sld [smem:$0x3FB1]  }
0x2b: {  	s6 =	sld [smem:$0x3FB2]  }
0x2c: {  	s7 =	sld [smem:$0x3FB3]  }
0x2d: {  	s3 =	simm.s32 $0x108;
	s8 =	sld [smem:$0x3FB4]  }
0x2e: {  	s3 =	simm.s32 @!p0 $0x1082;
	s9 =	sld [smem:$0x3FB5]  }
0x2f: {  	lr =	sadd.s32 s0, s3;
	s0 =	sld [smem:$0x3FAC]  }
0x30: {  	s3 =	sld [smem:$0x3FAF]  }
0x31: {  	[smem:$0x3FB8] =	sst s10  }
0x32: {  	s10 =	sld [smem:$0x3FB6];
	_ =	sdelay $0x3  }
0x33: {  	p0 =	seq.s32 s10, $0x1;
	s10 =	sld [smem:$0x3FB8];
	_ =	sdelay $0x3  }
0x34: {  	[smem:$0x3FB8] =	sst s10  }
0x35: {  	s10 =	sld [smem:$0x3FB7];
	_ =	sdelay $0x3  }
0x36: {  	p1 =	seq.s32 s10, $0x1;
	s10 =	sld [smem:$0x3FB8];
	_ =	sdelay $0x3  }
0x37: {  	[smem:$0x3FB8] =	sst s10  }
0x38: {  	s10 =	sld [smem:$0x3FB9]  }
0x39: {  	_ = 	snop;
	(pc) =	sbr.ind lr, $3  }
0x3a: {  	_ = 	snop  }
0x3b: {  	_ = 	snop  }
0x3c: {  	p2 =	seq.s32 s10, $0x1;
	s10 =	sld [smem:$0x3FB8]  }
0x3d: {  	_ =	shalt  }
0x3e: {  	_ =	shalt  }
0x3f: {  	_ =	shalt  }
0x40: {  	_ =	shalt  }
0x41: {  	_ =	shalt  }
0x42: {  	_ =	shalt  }
0x43: {  	_ =	shalt  }
0x44: {  	_ =	shalt  }
0x45: {  	_ =	shalt  }
0x46: {  	_ =	shalt  }
0x47: {  	_ =	shalt  }
0x48: {  	_ =	shalt  }
0x49: {  	_ =	shalt  }
0x4a: {  	_ =	shalt  }
0x4b: {  	_ =	shalt  }
0x4c: {  	_ =	shalt  }
0x4d: {  	_ =	shalt  }
0x4e: {  	_ =	shalt  }
0x4f: {  	_ =	shalt  }
0x50: {  	_ =	shalt  }
0x51: {  	_ =	shalt  }
0x52: {  	_ =	shalt  }
0x53: {  	_ =	shalt  }
0x54: {  	_ =	shalt  }
0x55: {  	_ =	shalt  }
0x56: {  	_ =	shalt  }
0x57: {  	_ =	shalt  }
0x58: {  	_ =	shalt  }
0x59: {  	_ =	shalt  }
0x5a: {  	_ =	shalt  }
0x5b: {  	_ =	shalt  }
0x5c: {  	_ =	shalt  }
0x5d: {  	_ =	shalt  }
0x5e: {  	_ =	shalt  }
0x5f: {  	_ =	shalt  }
0x60: {  	_ =	shalt  }
0x61: {  	_ =	shalt  }
0x62: {  	_ =	shalt  }
0x63: {  	_ =	shalt  }
0x64: {  	_ =	shalt  }
0x65: {  	_ =	shalt  }
0x66: {  	_ =	shalt  }
0x67: {  	_ =	shalt  }
0x68: {  	_ =	shalt  }
0x69: {  	_ =	shalt  }
0x6a: {  	_ =	shalt  }
0x6b: {  	_ =	shalt  }
0x6c: {  	_ =	shalt  }
0x6d: {  	_ =	shalt  }
0x6e: {  	_ =	shalt  }
0x6f: {  	_ =	shalt  }
0x70: {  	_ =	shalt  }
0x71: {  	_ =	shalt  }
0x72: {  	_ =	shalt  }
0x73: {  	_ =	shalt  }
0x74: {  	_ =	shalt  }
0x75: {  	_ =	shalt  }
0x76: {  	_ =	shalt  }
0x77: {  	_ =	shalt  }
0x78: {  	_ =	shalt  }
0x79: {  	_ =	shalt  }
0x7a: {  	_ =	shalt  }
0x7b: {  	_ =	shalt  }
0x7c: {  	_ =	shalt  }
0x7d: {  	_ =	shalt  }
0x7e: {  	_ =	shalt  }
0x7f: {  	_ =	shalt  }
0x80: {  	_ =	shalt  }
0x81: {  	_ =	shalt  }
0x82: {  	_ =	shalt  }
0x83: {  	_ =	shalt  }
0x84: {  	_ =	shalt  }
0x85: {  	_ =	shalt  }
0x86: {  	_ =	shalt  }
0x87: {  	_ =	shalt  }
.Lfunc_end0:
.L_simem_size_0:
called_computation_lowered:
.L_overlay_start_0:
0x88: {  	s2 =	sld [smem:$0x3FD9]  }
0x89: {  	s3 =	sld [smem:$0x3FFE];
	_ =	sdelay $0x1  }
0x8a: {  	s1 =	srdreg.scid  }
0x8b: {  	s0 =	sand.u32 $0x1, s1  }
0x8c: {  	s16 =	sshll.u32 s0, $0xA;
	s2 =	sadd.s32 s3, s2  }
0x8d: {  	s2 =	sadd.s32 s2, s16  }
0x8e: {  	[smem:$0x3FC4] =	sst s2  }
0x8f: {  	_ = 	snop  }
0x90: {  	(tm) =	ssettm $0x1  }
0x91: {  	s17 =	sld [smem:$0x3FFB];
	_ =	sdelay $0x3  }
0x92: {  	_ =	strace s17  }
0x93: {  	s2 =	sld [smem:$0x3FFC];
	_ =	sdelay $0x3  }
0x94: {  	_ =	strace s2  }
0x95: {  	s2 =	sld [smem:$0x3FFD];
	_ =	sdelay $0x3  }
0x96: {  	_ =	strace s2  }
0x97: {  	_ =	strace $0x8FFFFFFF  }
0x98: {  	s18 =	sld [smem:$0x3FDB];
	_ =	sdelay $0x1  }
0x99: {  	s19 =	simm.s32 $_scs_section_size  }
0x9a: {  	s4 =	simm.s32 $_size__tile_overlayer_lowered;
	s5 =	simm.s32 $_tile_overlayer_lowered  }
0x9b: {  	s22 =	simm.s32 $0x1BFF;
	s21 =	sshll.u32 s5, $0x1;
	s2 =	sadd.s32 s19, s18  }
0x9c: {  	s6 =	simm.s32 $0x0;
	s20 =	sshll.u32 s4, $0x1;
	s4 =	sadd.s32 s21, s2  }
0x9d: {  	[timem:s6], [sflag:s22] =	dma.local [hbm:s4], s20  }
0x9e: {  	_ =	swait.ge [sflag:s22], s20  }
0x9f: {  	s3 =	ssub.s32 $0x0, s20;
	[sflag:s22] =	ssyncset.done $0x0  }
0xa0: {  	[sflag:s22] =	ssyncadd.s32 s3;
	_ =	sdelay $0x1  }
0xa1: {  	s23 =	simm.s32 $0x1B8B  }
0xa2: {  	_ =	swait.ge [sflag:s23], $0x1  }
0xa3: {  	[sflag:s23] =	ssyncset.done $0x0  }
0xa4: {  	s25 =	simm.s32 $0x1B8E;
	s24 =	sld [smem:$0x3FFE];
	[sflag:s23] =	ssyncadd.s32 $0xFFFFFFFF  }
0xa5: {  	s26 =	simm.s32 $execute0_lowered;
	[smem:$0x3FD2] =	sst s25  }
0xa6: {  	s4 =	sshll.u32 s26, $0x1;
	_ =	strace $0x80000046;
	[dreg:$0x1] =	wrdreg $0xFFFFFFFF  }
0xa7: {  	s28 =	simm.s32 $_size_execute0_lowered;
	s2 =	sadd.s32 s2, s4;
	[dreg:$0x0] =	wrdreg $0x0  }
0xa8: {  	s4 =	sshll.u32 s28, $0x1;
	[dreg:$0x2] =	wrdreg s2  }
0xa9: {  	[dreg:$0x3] =	wrdreg s4  }
0xaa: {  	[dreg:$0x4] =	wrdreg $0xC0  }
0xab: {  	_ =	task [dreg:s6], $0x5FFFF  }
0xac: {  	[dreg:$0x1] =	wrdreg $0xFFFFFFFF  }
0xad: {  	[dreg:$0x0] =	wrdreg $0x60  }
0xae: {  	[dreg:$0x2] =	wrdreg s24  }
0xaf: {  	[dreg:$0x3] =	wrdreg $0x0  }
0xb0: {  	[dreg:$0x4] =	wrdreg $0x9  }
0xb1: {  	_ =	task.clear_ibuf [dreg:s6], $0x5FFFF;
	_ =	strace $0x90000046  }
0xb2: {  	s29 =	simm.s32 $0x9;
	_ =	strace $0x80000048  }
0xb3: {  	_ =	swait.ge [sflag:s29], $0x1  }
0xb4: {  	[sflag:s29] =	ssyncadd.s32 $0xFFFFFFFF  }
0xb5: {  	_ =	strace $0x90000048  }
0xb6: {  	_ =	sfence  }
0xb7: {  	s30 =	sld [smem:$0x0];
	_ =	sdelay $0x2  }
0xb8: {  	s31 =	sshll.u32 s1, $0xD;
	s1 =	sshrl.u32 s1, $0x2  }
0xb9: {  	s3 =	sand.u32 $0x4000, s31;
	s1 =	sadd.s32 s1, s30  }
0xba: {  	s0 =	sor.u32 s3, s0;
	s1 =	sshll.u32 s1, $0x11  }
0xbb: {  	s0 =	sor.u32 s1, s0  }
0xbc: {  	s0 =	sadd.s32 $0x8F2B, s0  }
0xbd: {  	[sflag:s0] =	ssyncadd.remote.s32 $0x1  }
0xbe: {  	_ =	sfence.sel $0xFFFF  }
0xbf: {  	[dreg:$0x0] =	wrdreg $0xFFFFFFFF;
	(pc) =	sbr.abs _section_cstart, $3  }
0xc0: {  	[dreg:$0x1] =	wrdreg $0xFFFFFFFF  }
0xc1: {  	_ =	task.clear_ibuf [dreg:s6], $0x2FFFF;
	_ =	strace $0x9FFFFFFF  }
0xc2: {  	(tm) =	ssettm $0x7FFFFFFF  }
0xc3: {  	_ =	shalt  }
tec
execute0_lowered:
.L_overlay_start_1:
0x0: {  	(tag) =	ssettag $0x1  }
0x1: {  	s1 =	srdreg.scid;
	s6 =	rddreg [dreg:$0x0]  }
0x2: {  	s0 =	stileid.u32;
	s2 =	rddreg [dreg:$0x1]  }
0x3: {  	s3 =	simm.s32 $0x0;
	s11 =	simm.s32 $0x15400;
	s14 =	simm.s32 $0x80  }
0x4: {  	s15 =	simm.s32 $0x2;
	s16 =	simm.s32 $0x0;
	s5 =	sand.u32 $0x1, s1  }
0x5: {  	s28 =	sshll.u32 s0, $0x1;
	s7 =	smul.u32 $0x2800, s0;
	[smem:$0x7FF] =	sst s3  }
0x6: {  	s10 =	smul.u32 $0x50000, s0;
	s12 =	sshll.u32 s0, $0x6;
	s1 =	sor.u32 s5, s28  }
0x7: {  	s8 =	smul.u32 $0x28000, s5;
	s29 =	ssub.s32 $0x2, s5;
	s5 =	sadd.s32 $0x6800, s6  }
0x8: {  	s12 =	sor.u32 $0x1C01, s12;
	s4 =	smul.u32 $0x280, s1;
	s1 =	rddreg [dreg:$0x2]  }
0x9: {  	_ =	strace $0x80000047;
	s30 =	sshrl.u32 s29, $0x1;
	s31 =	sshrl.u32 s10, $0x2  }
0xa: {  	s10 =	simm.s32 $0x1;
	s7 =	sadd.s32 s7, s8;
	s8 =	ssub.s32 s29, s30  }
0xb: {  	s13 =	sadd.s32 s31, s2;
	s9 =	sadd.s32 s4, s6;
	s4 =	sadd.s32 $0x7000, s6  }
0xc: {  	s7 =	sadd.s32 s7, s6;
	s8 =	smax.u32 s8, $0x1;
	s13 =	sshrl.u32 s13, $0x3  }
0xd: {  	s6 =	sadd.s32 $0x1800, s9;
	s7 =	sadd.s32 $0x9800, s7;
	s9 =	simm.s32 $0x14000  }
.LBB2_1:
0xe: {  	[tilespmem:s9], [sflag:$0x1] =	stream.linear.gather [hbm4b:s6+s3], $0x1400, $0x38;
	[tilespmem:$0x19400] =	vst v63  }
0xf: {  	_ =	swait.ge [sflag:s10], $0x1400  }
0x10: {  	[sflag:s10] =	ssyncset.done $0x0  }
0x11: {  	[sflag:s10] =	ssyncadd.s32 $0xFFFFEC00  }
0x12: {  	[tilespmem:s11], [sflag:$0x1] =	stream.linear.gather [hbm4b:s5+s3], $0x4000, $0x38;
	[tilespmem:$0x19400] =	vst v63  }
0x13: {  	_ =	swait.ge [sflag:s10], $0x4000  }
0x14: {  	[sflag:s10] =	ssyncset.done $0x0  }
0x15: {  	[sflag:s10] =	ssyncadd.s32 $0xFFFFC000  }
0x16: {  	[spmem:s13], [sflag:s12] =	dma.local [hbm:s4], $0x2800  }
0x17: {  	_ =	swait.ge [sflag:s10], $0x2800  }
0x18: {  	[sflag:s10] =	ssyncset.done $0x0  }
0x19: {  	[sflag:s10] =	ssyncadd.s32 $0xFFFFD800  }
0x1a: {  	s17 =	simm.s32 $0x14000;
	[bflag:$0x0] =	sbarrier.arrive $0xFFFF  }
0x1b: {  	[spmem:s2] =	stream.indirect.scatter.add.f32 [tilespmem:s11], [sflag:$0x2], $0x80, s17, s14, $0xb8;
	[tilespmem:$0x19400] =	vst v63  }
0x1c: {  	s17 =	simm.s32 $0x200;
	_ =	swait.ge [sflag:s15], $0x4000  }
.LBB2_2:
0x1d: {  	s18 =	sshra.s32 s17, $0x2;
	[sflag:s15] =	ssyncset.done $0x0;
	p0 =	sne.s32 s17, $0x4E00  }
.Ltmp0:
0x1e: {  	s18 =	sadd.s32 $0x14000, s18;
	[sflag:s15] =	ssyncadd.s32 $0xFFFFC000;
	(pc) =	sbr.rel @p0 .LBB2_2-.Ltmp0, $3  }
0x1f: {  	[spmem:s2] =	stream.indirect.scatter.add.f32 [tilespmem:s11], [sflag:$0x2], $0x80, s18, s14, $0xb8;
	[tilespmem:$0x19400] =	vst v63  }
0x20: {  	s17 =	sadd.s32 $0x200, s17;
	_ =	sdelay $0x1  }
0x21: {  	_ =	swait.ge [sflag:s15], $0x4000  }
0x22: {  	[sflag:s15] =	ssyncset.done $0x0;
	s16 =	sadd.s32 $0x1, s16  }
0x23: {  	[sflag:s15] =	ssyncadd.s32 $0xFFFFC000;
	p0 =	sne.s32 s16, s8  }
.Ltmp1:
0x24: {  	[bflag:$0x0] =	sbarrier.arrive $0xFFFF;
	(pc) =	sbr.rel @p0 .LBB2_1-.Ltmp1, $4  }
0x25: {  	[hbm:s7], [sflag:s12] =	dma.local [spmem:s13], $0x2800  }
0x26: {  	_ =	swait.ge [sflag:s10], $0x2800  }
0x27: {  	[sflag:s10] =	ssyncset.done $0x0  }
0x28: {  	[sflag:s10] =	ssyncadd.s32 $0xFFFFD800  }
0x29: {  	_ =	sfence.sel $0x180000  }
0x2a: {  	[bflag:$0x0] =	sbarrier.arrive $0xFFFF  }
0x2b: {  	p0 =	sne.s32 s0, $0x0;
	_ =	strace $0x90000047  }
0x2c: {  	s0 =	sadd.s32 @!p0 $0x100000, s1;
	[bflag:$0x2] =	sbarrier.arrive $0xFFFF  }
0x2d: {  	[sflag:s0] =	ssyncadd.tile.s32 @!p0 $0x1;
	_ =	shalt  }
.Lfunc_end2:
_tile_overlayer_lowered:
.L_overlay_start_2:
0x2e: {  	(tag) =	ssettag $0x2  }
0x2f: {  	s0 =	rddreg [dreg:$0x0];
	s2 =	stileid.u32  }
0x30: {  	s1 =	rddreg [dreg:$0x1];
	p0 =	sne.s32 s2, $0x0  }
0x31: {  	s3 =	rddreg [dreg:$0x2];
	[bflag:$0x3] =	sbarrier.arrive $0xFFFF;
	s2 =	simm.s32 @!p0 $0x1C02  }
0x32: {  	[timem:s3], [sflag:s2] =	dma.local @!p0 [hbm:s0], s1  }
0x33: {  	s0 =	simm.s32 @!p0 $0x2  }
0x34: {  	_ =	swait.ge @!p0 [sflag:s0], s1  }
0x35: {  	s1 =	ssub.s32 @!p0 $0x0, s1;
	[sflag:s0] =	ssyncset.done @!p0 $0x0  }
0x36: {  	[sflag:s0] =	ssyncadd.s32 @!p0 s1  }
0x37: {  	[bflag:$0x3] =	sbarrier.arrive $0xFFFF  }
0x38: {  	_ =	shalt  }

</sc_bundles>
